<compile_context>
chip_gen: v7x
topology: tpu7x:2x2x1
jax: 0.10.2.dev20260603
libtpu: 0.0.44.dev20260713+nightly
codegen_flags: <defaults>
</compile_context>

<pallas_src>
import functools

import jax
import jax.numpy as jnp
from jax import lax
from jax.experimental import pallas as pl
from jax.experimental.pallas import tpu as pltpu, tpu_sc as plsc

B = 4096
S = 200
D = 64
DP = 128
NC = 2
NS = 16
NW = NC * NS
B_PER_W = B // NW
CB = 2
GROUPS = ((0, 104), (104, 96))
N_CHUNKS = B_PER_W // CB

_mesh = plsc.VectorSubcoreMesh(
    core_axis_name="c", subcore_axis_name="s", num_cores=NC, num_subcores=NS
)


@functools.partial(
    pl.kernel,
    out_type=jax.ShapeDtypeStruct((B, S, DP), jnp.float32),
    mesh=_mesh,
    compiler_params=pltpu.CompilerParams(use_tc_tiling_on_sc=False),
    scratch_types=[
        pltpu.VMEM((S * D,), jnp.float32),
        pltpu.VMEM((B_PER_W * S,), jnp.int32),
        pltpu.VMEM((2, CB, S, D), jnp.float32),
        pltpu.SemaphoreType.DMA,
        pltpu.SemaphoreType.DMA,
    ],
)
def _embed_sc(idx_hbm, emb_hbm, pos_hbm, out_hbm, pos_v, idx_v, rows_v,
              gsem0, gsem1):
    wid = lax.axis_index("s") * NC + lax.axis_index("c")
    b_base = wid * B_PER_W

    pltpu.sync_copy(idx_hbm.at[pl.ds(b_base * S, B_PER_W * S)], idx_v)
    pltpu.sync_copy(pos_hbm, pos_v)

    gsems = (gsem0, gsem1)

    def start_chunk(c, buf):
        for q in range(CB):
            for off, n in GROUPS:
                pltpu.async_copy(
                    emb_hbm.at[idx_v.at[pl.ds((c * CB + q) * S + off, n)]],
                    rows_v.at[buf, q, pl.ds(off, n)],
                    gsems[buf],
                )

    def drain_chunk(buf):
        for q in range(CB):
            for off, n in GROUPS:
                pltpu.make_async_copy(
                    emb_hbm.at[idx_v.at[pl.ds(0, n)]],
                    rows_v.at[buf, q, pl.ds(off, n)],
                    gsems[buf],
                ).wait()

    def finish_chunk(c, buf):
        def add_rows(s, _):
            for d in range(0, D, 16):
                v = pos_v[pl.ds(s * D + d, 16)]
                for q in range(CB):
                    plsc.addupdate(rows_v.at[buf, q, s, pl.ds(d, 16)], v)
            return 0

        lax.fori_loop(0, S, add_rows, 0, unroll=2)
        pltpu.sync_copy(
            rows_v.at[buf],
            out_hbm.at[pl.ds(b_base + c * CB, CB), slice(None), pl.ds(0, D)],
        )

    start_chunk(0, 0)

    def pipelined(c, _):
        buf = lax.rem(c, 2)

        @pl.when(buf == 0)
        def _():
            start_chunk(c + 1, 1)
            drain_chunk(0)
            finish_chunk(c, 0)

        @pl.when(buf == 1)
        def _():
            start_chunk(c + 1, 0)
            drain_chunk(1)
            finish_chunk(c, 1)

        return 0

    lax.fori_loop(0, N_CHUNKS - 1, pipelined, 0)

    last = (N_CHUNKS - 1) % 2
    drain_chunk(last)
    finish_chunk(N_CHUNKS - 1, last)


def kernel(instruction, emb_table, pos_table):
    idx = instruction.reshape(-1).astype(jnp.int32)
    pos = pos_table[:S].reshape(-1)
    out = _embed_sc(idx, emb_table, pos)
    return out[..., :D]

# --- scband reference (transcript-rebuilt; emitter-appended) ---
"""Pipeline reference for scband-transformer-embeddings-10806137717130 (READ-ONLY COPY).

The authoritative reference and input builder live on the scoring server;
editing this copy changes nothing except your own understanding.
"""

import jax, jax.numpy as jnp
import numpy as np

N_INP = 100000
EMBED_DIM = 64
BATCH = 4096
SEQ = 200

def setup_inputs(seed: int = 0) -> dict:
    key = jax.random.key(seed)
    k1, k2, k3 = jax.random.split(key, 3)
    instruction = jax.random.randint(k1, (BATCH, SEQ), 0, N_INP, dtype=jnp.int64 if jax.config.jax_enable_x64 else jnp.int32)
    emb_table = jax.random.normal(k2, (N_INP, EMBED_DIM), dtype=jnp.float32)
    pos_table = jax.random.normal(k3, (N_INP, EMBED_DIM), dtype=jnp.float32)
    return {"instruction": instruction, "emb_table": emb_table, "pos_table": pos_table}

def reference(instruction, emb_table, pos_table):
    # token embedding lookup
    projected = jnp.take(emb_table, instruction, axis=0)
    # positional ids: ones_like(instruction).cumsum(-1) - 1 == [0, 1, ..., S-1] per row
    pos_ids = jnp.cumsum(jnp.ones_like(instruction), axis=-1) - 1
    projected = jnp.take(pos_table, pos_ids, axis=0) + projected
    # dropout_p = 0.0 -> identity
    return projected

if __name__ == "__main__":
    import jax
    _d = setup_inputs()
    print(jax.jit(kernel)(*tuple(_d.values())))

</pallas_src>

<mosaic_0001>
#map = affine_map<(d0, d1) -> (0)>
#map1 = affine_map<(d0, d1) -> (0, 0)>
#map2 = affine_map<(d0, d1) -> (0, 0, 0)>
module attributes {stable_mosaic.version = 14 : i64} {
  func.func @_embed_sc(%arg0: i32, %arg1: i32, %arg2: memref<819200xi32, #tpu.memory_space<hbm>>, %arg3: memref<100000x64xf32, #tpu.memory_space<hbm>>, %arg4: memref<12800xf32, #tpu.memory_space<hbm>>, %arg5: memref<4096x200x128xf32, #tpu.memory_space<hbm>>, %arg6: memref<12800xf32, #tpu.memory_space<vmem>>, %arg7: memref<25600xi32, #tpu.memory_space<vmem>>, %arg8: memref<2x2x200x64xf32, #tpu.memory_space<vmem>>, %arg9: memref<!tpu.dma_semaphore, #tpu.memory_space<semaphore_mem>>, %arg10: memref<!tpu.dma_semaphore, #tpu.memory_space<semaphore_mem>>) attributes {dimension_semantics = [#tpu.dimension_semantics<core_parallel>, #tpu.dimension_semantics<subcore_parallel>], iteration_bounds = array<i64: 2, 16>, scalar_prefetch = 0 : i64, scratch_operands = 5 : i64, tpu.core_type = #tpu.core_type<sc_vector_subcore>, window_params = [{transform_indices = #map}, {transform_indices = #map1}, {transform_indices = #map}, {transform_indices = #map2}]} {
    %mul3A = arith.constant 2 : i32
    %mul3A_0 = arith.muli %arg1, %mul3A : i32
    %add3A = arith.addi %mul3A_0, %arg0 : i32
    %mul3A_1 = arith.constant 128 : i32
    %mul3A_2 = arith.muli %add3A, %mul3A_1 : i32
    %mul3A_3 = arith.constant 200 : i32
    %mul3A_4 = arith.muli %mul3A_2, %mul3A_3 : i32
    "tpu.region"() ({
      %run_scoped3A_106 = tpu.sem_alloc : memref<!tpu.dma_semaphore, #tpu.memory_space<semaphore_mem>>
      %dma_start3A_107 = tpu.memref_slice %arg2[%mul3A_4] : memref<819200xi32, #tpu.memory_space<hbm>> -> memref<25600xi32, #tpu.memory_space<hbm>>
      %dma_start3A_108 = tpu.memref_slice %arg2[%mul3A_4] : memref<819200xi32, #tpu.memory_space<hbm>> -> memref<25600xi32, #tpu.memory_space<hbm>>
      tpu.enqueue_dma source(%dma_start3A_108 : memref<25600xi32, #tpu.memory_space<hbm>>) target(%arg7 : memref<25600xi32, #tpu.memory_space<vmem>>) target_semaphore(%run_scoped3A_106 : memref<!tpu.dma_semaphore, #tpu.memory_space<semaphore_mem>>)
      %dma_wait3A_109 = tpu.memref_slice %arg2[%mul3A_4] : memref<819200xi32, #tpu.memory_space<hbm>> -> memref<25600xi32, #tpu.memory_space<hbm>>
      %dma_wait3A_110 = tpu.memref_slice %arg2[%mul3A_4] : memref<819200xi32, #tpu.memory_space<hbm>> -> memref<25600xi32, #tpu.memory_space<hbm>>
      tpu.wait_dma2 semaphore(%run_scoped3A_106 : memref<!tpu.dma_semaphore, #tpu.memory_space<semaphore_mem>>) src(%dma_wait3A_110 : memref<25600xi32, #tpu.memory_space<hbm>>) dst(%arg7 : memref<25600xi32, #tpu.memory_space<vmem>>)
      tpu.yield
    }) : () -> ()
    "tpu.region"() ({
      %run_scoped3A_106 = tpu.sem_alloc : memref<!tpu.dma_semaphore, #tpu.memory_space<semaphore_mem>>
      tpu.enqueue_dma source(%arg4 : memref<12800xf32, #tpu.memory_space<hbm>>) target(%arg6 : memref<12800xf32, #tpu.memory_space<vmem>>) target_semaphore(%run_scoped3A_106 : memref<!tpu.dma_semaphore, #tpu.memory_space<semaphore_mem>>)
      tpu.wait_dma2 semaphore(%run_scoped3A_106 : memref<!tpu.dma_semaphore, #tpu.memory_space<semaphore_mem>>) src(%arg4 : memref<12800xf32, #tpu.memory_space<hbm>>) dst(%arg6 : memref<12800xf32, #tpu.memory_space<vmem>>)
      tpu.yield
    }) : () -> ()
    %dma_start3A = arith.constant 0 : i32
    %dma_start3A_5 = arith.constant 0 : i32
    %dma_start3A_6 = arith.constant 0 : i32
    %dma_start3A_7 = arith.constant 0 : i32
    %dma_start3A_8 = tpu.memref_slice %arg8[%dma_start3A, %dma_start3A_5, %dma_start3A_6, %dma_start3A_7] : memref<2x2x200x64xf32, #tpu.memory_space<vmem>> -> memref<1x1x104x64xf32, #tpu.memory_space<vmem>>
    %dma_start3A_9 = tpu.memref_squeeze %dma_start3A_8 : memref<1x1x104x64xf32, #tpu.memory_space<vmem>> -> memref<104x64xf32, #tpu.memory_space<vmem>>
    %dma_start3A_10 = arith.constant 0 : i32
    %dma_start3A_11 = tpu.memref_slice %arg7[%dma_start3A_10] : memref<25600xi32, #tpu.memory_space<vmem>> -> memref<104xi32, #tpu.memory_space<vmem>>
    %dma_start3A_12 = arith.constant 0 : i32
    %dma_start3A_13 = arith.constant 0 : i32
    %dma_start3A_14 = tpu.memref_slice %arg3[%dma_start3A_12, %dma_start3A_13] : memref<100000x64xf32, #tpu.memory_space<hbm>> -> memref<100000x64xf32, #tpu.memory_space<hbm>>
    tpu.enqueue_indirect_dma source(%dma_start3A_14 : memref<100000x64xf32, #tpu.memory_space<hbm>>) target(%dma_start3A_9 : memref<104x64xf32, #tpu.memory_space<vmem>>) offsets(%dma_start3A_11 : memref<104xi32, #tpu.memory_space<vmem>>) semaphore(%arg9 : memref<!tpu.dma_semaphore, #tpu.memory_space<semaphore_mem>>)
    %dma_start3A_15 = arith.constant 0 : i32
    %dma_start3A_16 = arith.constant 0 : i32
    %dma_start3A_17 = arith.constant 104 : i32
    %dma_start3A_18 = arith.constant 0 : i32
    %dma_start3A_19 = tpu.memref_slice %arg8[%dma_start3A_15, %dma_start3A_16, %dma_start3A_17, %dma_start3A_18] : memref<2x2x200x64xf32, #tpu.memory_space<vmem>> -> memref<1x1x96x64xf32, #tpu.memory_space<vmem>>
    %dma_start3A_20 = tpu.memref_squeeze %dma_start3A_19 : memref<1x1x96x64xf32, #tpu.memory_space<vmem>> -> memref<96x64xf32, #tpu.memory_space<vmem>>
    %dma_start3A_21 = arith.constant 104 : i32
    %dma_start3A_22 = tpu.memref_slice %arg7[%dma_start3A_21] : memref<25600xi32, #tpu.memory_space<vmem>> -> memref<96xi32, #tpu.memory_space<vmem>>
    %dma_start3A_23 = arith.constant 0 : i32
    %dma_start3A_24 = arith.constant 0 : i32
    %dma_start3A_25 = tpu.memref_slice %arg3[%dma_start3A_23, %dma_start3A_24] : memref<100000x64xf32, #tpu.memory_space<hbm>> -> memref<100000x64xf32, #tpu.memory_space<hbm>>
    tpu.enqueue_indirect_dma source(%dma_start3A_25 : memref<100000x64xf32, #tpu.memory_space<hbm>>) target(%dma_start3A_20 : memref<96x64xf32, #tpu.memory_space<vmem>>) offsets(%dma_start3A_22 : memref<96xi32, #tpu.memory_space<vmem>>) semaphore(%arg9 : memref<!tpu.dma_semaphore, #tpu.memory_space<semaphore_mem>>)
    %dma_start3A_26 = arith.constant 0 : i32
    %dma_start3A_27 = arith.constant 1 : i32
    %dma_start3A_28 = arith.constant 0 : i32
    %dma_start3A_29 = arith.constant 0 : i32
    %dma_start3A_30 = tpu.memref_slice %arg8[%dma_start3A_26, %dma_start3A_27, %dma_start3A_28, %dma_start3A_29] : memref<2x2x200x64xf32, #tpu.memory_space<vmem>> -> memref<1x1x104x64xf32, #tpu.memory_space<vmem>>
    %dma_start3A_31 = tpu.memref_squeeze %dma_start3A_30 : memref<1x1x104x64xf32, #tpu.memory_space<vmem>> -> memref<104x64xf32, #tpu.memory_space<vmem>>
    %dma_start3A_32 = arith.constant 200 : i32
    %dma_start3A_33 = tpu.memref_slice %arg7[%dma_start3A_32] : memref<25600xi32, #tpu.memory_space<vmem>> -> memref<104xi32, #tpu.memory_space<vmem>>
    %dma_start3A_34 = arith.constant 0 : i32
    %dma_start3A_35 = arith.constant 0 : i32
    %dma_start3A_36 = tpu.memref_slice %arg3[%dma_start3A_34, %dma_start3A_35] : memref<100000x64xf32, #tpu.memory_space<hbm>> -> memref<100000x64xf32, #tpu.memory_space<hbm>>
    tpu.enqueue_indirect_dma source(%dma_start3A_36 : memref<100000x64xf32, #tpu.memory_space<hbm>>) target(%dma_start3A_31 : memref<104x64xf32, #tpu.memory_space<vmem>>) offsets(%dma_start3A_33 : memref<104xi32, #tpu.memory_space<vmem>>) semaphore(%arg9 : memref<!tpu.dma_semaphore, #tpu.memory_space<semaphore_mem>>)
    %dma_start3A_37 = arith.constant 0 : i32
    %dma_start3A_38 = arith.constant 1 : i32
    %dma_start3A_39 = arith.constant 104 : i32
    %dma_start3A_40 = arith.constant 0 : i32
    %dma_start3A_41 = tpu.memref_slice %arg8[%dma_start3A_37, %dma_start3A_38, %dma_start3A_39, %dma_start3A_40] : memref<2x2x200x64xf32, #tpu.memory_space<vmem>> -> memref<1x1x96x64xf32, #tpu.memory_space<vmem>>
    %dma_start3A_42 = tpu.memref_squeeze %dma_start3A_41 : memref<1x1x96x64xf32, #tpu.memory_space<vmem>> -> memref<96x64xf32, #tpu.memory_space<vmem>>
    %dma_start3A_43 = arith.constant 304 : i32
    %dma_start3A_44 = tpu.memref_slice %arg7[%dma_start3A_43] : memref<25600xi32, #tpu.memory_space<vmem>> -> memref<96xi32, #tpu.memory_space<vmem>>
    %dma_start3A_45 = arith.constant 0 : i32
    %dma_start3A_46 = arith.constant 0 : i32
    %dma_start3A_47 = tpu.memref_slice %arg3[%dma_start3A_45, %dma_start3A_46] : memref<100000x64xf32, #tpu.memory_space<hbm>> -> memref<100000x64xf32, #tpu.memory_space<hbm>>
    tpu.enqueue_indirect_dma source(%dma_start3A_47 : memref<100000x64xf32, #tpu.memory_space<hbm>>) target(%dma_start3A_42 : memref<96x64xf32, #tpu.memory_space<vmem>>) offsets(%dma_start3A_44 : memref<96xi32, #tpu.memory_space<vmem>>) semaphore(%arg9 : memref<!tpu.dma_semaphore, #tpu.memory_space<semaphore_mem>>)
    %scan3A = arith.constant 0 : i32
    %scan3A_48 = arith.constant 0 : i32
    %scan3A_49 = arith.constant 63 : i32
    %scan3A_50 = arith.addi %scan3A_48, %scan3A_49 : i32
    %scan3A_51 = arith.constant 1 : i32
    %scan3A_52 = scf.for %scan3A_106 = %scan3A_48 to %scan3A_50 step %scan3A_51 iter_args(%scan3A_107 = %scan3A) -> (i32)  : i32 {
      %rem3A = arith.constant 2 : i32
      %rem3A_108 = arith.remsi %scan3A_106, %rem3A : i32
      %eq3A = arith.constant 0 : i32
      %eq3A_109 = arith.cmpi eq, %rem3A_108, %eq3A : i32
      %convert_element_type3A = arith.extui %eq3A_109 : i1 to i32
      %cond3A = arith.constant 0 : i32
      %cond3A_110 = arith.cmpi ne, %convert_element_type3A, %cond3A : i32
      scf.if %cond3A_110 {
        %add3A_117 = arith.constant 1 : i32
        %add3A_118 = arith.addi %scan3A_106, %add3A_117 : i32
        %mul3A_119 = arith.constant 2 : i32
        %mul3A_120 = arith.muli %add3A_118, %mul3A_119 : i32
        %add3A_121 = arith.constant 0 : i32
        %add3A_122 = arith.addi %mul3A_120, %add3A_121 : i32
        %mul3A_123 = arith.constant 200 : i32
        %mul3A_124 = arith.muli %add3A_122, %mul3A_123 : i32
        %add3A_125 = arith.constant 0 : i32
        %add3A_126 = arith.addi %mul3A_124, %add3A_125 : i32
        %dma_start3A_127 = arith.constant 1 : i32
        %dma_start3A_128 = arith.constant 0 : i32
        %dma_start3A_129 = arith.constant 0 : i32
        %dma_start3A_130 = arith.constant 0 : i32
        %dma_start3A_131 = tpu.memref_slice %arg8[%dma_start3A_127, %dma_start3A_128, %dma_start3A_129, %dma_start3A_130] : memref<2x2x200x64xf32, #tpu.memory_space<vmem>> -> memref<1x1x104x64xf32, #tpu.memory_space<vmem>>
        %dma_start3A_132 = tpu.memref_squeeze %dma_start3A_131 : memref<1x1x104x64xf32, #tpu.memory_space<vmem>> -> memref<104x64xf32, #tpu.memory_space<vmem>>
        %dma_start3A_133 = tpu.memref_slice %arg7[%add3A_126] : memref<25600xi32, #tpu.memory_space<vmem>> -> memref<104xi32, #tpu.memory_space<vmem>>
        %dma_start3A_134 = arith.constant 0 : i32
        %dma_start3A_135 = arith.constant 0 : i32
        %dma_start3A_136 = tpu.memref_slice %arg3[%dma_start3A_134, %dma_start3A_135] : memref<100000x64xf32, #tpu.memory_space<hbm>> -> memref<100000x64xf32, #tpu.memory_space<hbm>>
        tpu.enqueue_indirect_dma source(%dma_start3A_136 : memref<100000x64xf32, #tpu.memory_space<hbm>>) target(%dma_start3A_132 : memref<104x64xf32, #tpu.memory_space<vmem>>) offsets(%dma_start3A_133 : memref<104xi32, #tpu.memory_space<vmem>>) semaphore(%arg10 : memref<!tpu.dma_semaphore, #tpu.memory_space<semaphore_mem>>)
        %mul3A_137 = arith.constant 2 : i32
        %mul3A_138 = arith.muli %add3A_118, %mul3A_137 : i32
        %add3A_139 = arith.constant 0 : i32
        %add3A_140 = arith.addi %mul3A_138, %add3A_139 : i32
        %mul3A_141 = arith.constant 200 : i32
        %mul3A_142 = arith.muli %add3A_140, %mul3A_141 : i32
        %add3A_143 = arith.constant 104 : i32
        %add3A_144 = arith.addi %mul3A_142, %add3A_143 : i32
        %dma_start3A_145 = arith.constant 1 : i32
        %dma_start3A_146 = arith.constant 0 : i32
        %dma_start3A_147 = arith.constant 104 : i32
        %dma_start3A_148 = arith.constant 0 : i32
        %dma_start3A_149 = tpu.memref_slice %arg8[%dma_start3A_145, %dma_start3A_146, %dma_start3A_147, %dma_start3A_148] : memref<2x2x200x64xf32, #tpu.memory_space<vmem>> -> memref<1x1x96x64xf32, #tpu.memory_space<vmem>>
        %dma_start3A_150 = tpu.memref_squeeze %dma_start3A_149 : memref<1x1x96x64xf32, #tpu.memory_space<vmem>> -> memref<96x64xf32, #tpu.memory_space<vmem>>
        %dma_start3A_151 = tpu.memref_slice %arg7[%add3A_144] : memref<25600xi32, #tpu.memory_space<vmem>> -> memref<96xi32, #tpu.memory_space<vmem>>
        %dma_start3A_152 = arith.constant 0 : i32
        %dma_start3A_153 = arith.constant 0 : i32
        %dma_start3A_154 = tpu.memref_slice %arg3[%dma_start3A_152, %dma_start3A_153] : memref<100000x64xf32, #tpu.memory_space<hbm>> -> memref<100000x64xf32, #tpu.memory_space<hbm>>
        tpu.enqueue_indirect_dma source(%dma_start3A_154 : memref<100000x64xf32, #tpu.memory_space<hbm>>) target(%dma_start3A_150 : memref<96x64xf32, #tpu.memory_space<vmem>>) offsets(%dma_start3A_151 : memref<96xi32, #tpu.memory_space<vmem>>) semaphore(%arg10 : memref<!tpu.dma_semaphore, #tpu.memory_space<semaphore_mem>>)
        %mul3A_155 = arith.constant 2 : i32
        %mul3A_156 = arith.muli %add3A_118, %mul3A_155 : i32
        %add3A_157 = arith.constant 1 : i32
        %add3A_158 = arith.addi %mul3A_156, %add3A_157 : i32
        %mul3A_159 = arith.constant 200 : i32
        %mul3A_160 = arith.muli %add3A_158, %mul3A_159 : i32
        %add3A_161 = arith.constant 0 : i32
        %add3A_162 = arith.addi %mul3A_160, %add3A_161 : i32
        %dma_start3A_163 = arith.constant 1 : i32
        %dma_start3A_164 = arith.constant 1 : i32
        %dma_start3A_165 = arith.constant 0 : i32
        %dma_start3A_166 = arith.constant 0 : i32
        %dma_start3A_167 = tpu.memref_slice %arg8[%dma_start3A_163, %dma_start3A_164, %dma_start3A_165, %dma_start3A_166] : memref<2x2x200x64xf32, #tpu.memory_space<vmem>> -> memref<1x1x104x64xf32, #tpu.memory_space<vmem>>
        %dma_start3A_168 = tpu.memref_squeeze %dma_start3A_167 : memref<1x1x104x64xf32, #tpu.memory_space<vmem>> -> memref<104x64xf32, #tpu.memory_space<vmem>>
        %dma_start3A_169 = tpu.memref_slice %arg7[%add3A_162] : memref<25600xi32, #tpu.memory_space<vmem>> -> memref<104xi32, #tpu.memory_space<vmem>>
        %dma_start3A_170 = arith.constant 0 : i32
        %dma_start3A_171 = arith.constant 0 : i32
        %dma_start3A_172 = tpu.memref_slice %arg3[%dma_start3A_170, %dma_start3A_171] : memref<100000x64xf32, #tpu.memory_space<hbm>> -> memref<100000x64xf32, #tpu.memory_space<hbm>>
        tpu.enqueue_indirect_dma source(%dma_start3A_172 : memref<100000x64xf32, #tpu.memory_space<hbm>>) target(%dma_start3A_168 : memref<104x64xf32, #tpu.memory_space<vmem>>) offsets(%dma_start3A_169 : memref<104xi32, #tpu.memory_space<vmem>>) semaphore(%arg10 : memref<!tpu.dma_semaphore, #tpu.memory_space<semaphore_mem>>)
        %mul3A_173 = arith.constant 2 : i32
        %mul3A_174 = arith.muli %add3A_118, %mul3A_173 : i32
        %add3A_175 = arith.constant 1 : i32
        %add3A_176 = arith.addi %mul3A_174, %add3A_175 : i32
        %mul3A_177 = arith.constant 200 : i32
        %mul3A_178 = arith.muli %add3A_176, %mul3A_177 : i32
        %add3A_179 = arith.constant 104 : i32
        %add3A_180 = arith.addi %mul3A_178, %add3A_179 : i32
        %dma_start3A_181 = arith.constant 1 : i32
        %dma_start3A_182 = arith.constant 1 : i32
        %dma_start3A_183 = arith.constant 104 : i32
        %dma_start3A_184 = arith.constant 0 : i32
        %dma_start3A_185 = tpu.memref_slice %arg8[%dma_start3A_181, %dma_start3A_182, %dma_start3A_183, %dma_start3A_184] : memref<2x2x200x64xf32, #tpu.memory_space<vmem>> -> memref<1x1x96x64xf32, #tpu.memory_space<vmem>>
        %dma_start3A_186 = tpu.memref_squeeze %dma_start3A_185 : memref<1x1x96x64xf32, #tpu.memory_space<vmem>> -> memref<96x64xf32, #tpu.memory_space<vmem>>
        %dma_start3A_187 = tpu.memref_slice %arg7[%add3A_180] : memref<25600xi32, #tpu.memory_space<vmem>> -> memref<96xi32, #tpu.memory_space<vmem>>
        %dma_start3A_188 = arith.constant 0 : i32
        %dma_start3A_189 = arith.constant 0 : i32
        %dma_start3A_190 = tpu.memref_slice %arg3[%dma_start3A_188, %dma_start3A_189] : memref<100000x64xf32, #tpu.memory_space<hbm>> -> memref<100000x64xf32, #tpu.memory_space<hbm>>
        tpu.enqueue_indirect_dma source(%dma_start3A_190 : memref<100000x64xf32, #tpu.memory_space<hbm>>) target(%dma_start3A_186 : memref<96x64xf32, #tpu.memory_space<vmem>>) offsets(%dma_start3A_187 : memref<96xi32, #tpu.memory_space<vmem>>) semaphore(%arg10 : memref<!tpu.dma_semaphore, #tpu.memory_space<semaphore_mem>>)
        %dma_wait3A_191 = arith.constant 0 : i32
        %dma_wait3A_192 = arith.constant 0 : i32
        %dma_wait3A_193 = arith.constant 0 : i32
        %dma_wait3A_194 = arith.constant 0 : i32
        %dma_wait3A_195 = tpu.memref_slice %arg8[%dma_wait3A_191, %dma_wait3A_192, %dma_wait3A_193, %dma_wait3A_194] : memref<2x2x200x64xf32, #tpu.memory_space<vmem>> -> memref<1x1x104x64xf32, #tpu.memory_space<vmem>>
        %dma_wait3A_196 = tpu.memref_squeeze %dma_wait3A_195 : memref<1x1x104x64xf32, #tpu.memory_space<vmem>> -> memref<104x64xf32, #tpu.memory_space<vmem>>
        %dma_wait3A_197 = arith.constant 0 : i32
        %dma_wait3A_198 = tpu.memref_slice %arg7[%dma_wait3A_197] : memref<25600xi32, #tpu.memory_space<vmem>> -> memref<104xi32, #tpu.memory_space<vmem>>
        %dma_wait3A_199 = arith.constant 0 : i32
        %dma_wait3A_200 = arith.constant 0 : i32
        %dma_wait3A_201 = tpu.memref_slice %arg3[%dma_wait3A_199, %dma_wait3A_200] : memref<100000x64xf32, #tpu.memory_space<hbm>> -> memref<100000x64xf32, #tpu.memory_space<hbm>>
        tpu.wait_indirect_dma semaphore(%arg9 : memref<!tpu.dma_semaphore, #tpu.memory_space<semaphore_mem>>) src(%dma_wait3A_201 : memref<100000x64xf32, #tpu.memory_space<hbm>>) dst(%dma_wait3A_196 : memref<104x64xf32, #tpu.memory_space<vmem>>)
        %dma_wait3A_202 = arith.constant 0 : i32
        %dma_wait3A_203 = arith.constant 0 : i32
        %dma_wait3A_204 = arith.constant 104 : i32
        %dma_wait3A_205 = arith.constant 0 : i32
        %dma_wait3A_206 = tpu.memref_slice %arg8[%dma_wait3A_202, %dma_wait3A_203, %dma_wait3A_204, %dma_wait3A_205] : memref<2x2x200x64xf32, #tpu.memory_space<vmem>> -> memref<1x1x96x64xf32, #tpu.memory_space<vmem>>
        %dma_wait3A_207 = tpu.memref_squeeze %dma_wait3A_206 : memref<1x1x96x64xf32, #tpu.memory_space<vmem>> -> memref<96x64xf32, #tpu.memory_space<vmem>>
        %dma_wait3A_208 = arith.constant 0 : i32
        %dma_wait3A_209 = tpu.memref_slice %arg7[%dma_wait3A_208] : memref<25600xi32, #tpu.memory_space<vmem>> -> memref<96xi32, #tpu.memory_space<vmem>>
        %dma_wait3A_210 = arith.constant 0 : i32
        %dma_wait3A_211 = arith.constant 0 : i32
        %dma_wait3A_212 = tpu.memref_slice %arg3[%dma_wait3A_210, %dma_wait3A_211] : memref<100000x64xf32, #tpu.memory_space<hbm>> -> memref<100000x64xf32, #tpu.memory_space<hbm>>
        tpu.wait_indirect_dma semaphore(%arg9 : memref<!tpu.dma_semaphore, #tpu.memory_space<semaphore_mem>>) src(%dma_wait3A_212 : memref<100000x64xf32, #tpu.memory_space<hbm>>) dst(%dma_wait3A_207 : memref<96x64xf32, #tpu.memory_space<vmem>>)
        %dma_wait3A_213 = arith.constant 0 : i32
        %dma_wait3A_214 = arith.constant 1 : i32
        %dma_wait3A_215 = arith.constant 0 : i32
        %dma_wait3A_216 = arith.constant 0 : i32
        %dma_wait3A_217 = tpu.memref_slice %arg8[%dma_wait3A_213, %dma_wait3A_214, %dma_wait3A_215, %dma_wait3A_216] : memref<2x2x200x64xf32, #tpu.memory_space<vmem>> -> memref<1x1x104x64xf32, #tpu.memory_space<vmem>>
        %dma_wait3A_218 = tpu.memref_squeeze %dma_wait3A_217 : memref<1x1x104x64xf32, #tpu.memory_space<vmem>> -> memref<104x64xf32, #tpu.memory_space<vmem>>
        %dma_wait3A_219 = arith.constant 0 : i32
        %dma_wait3A_220 = tpu.memref_slice %arg7[%dma_wait3A_219] : memref<25600xi32, #tpu.memory_space<vmem>> -> memref<104xi32, #tpu.memory_space<vmem>>
        %dma_wait3A_221 = arith.constant 0 : i32
        %dma_wait3A_222 = arith.constant 0 : i32
        %dma_wait3A_223 = tpu.memref_slice %arg3[%dma_wait3A_221, %dma_wait3A_222] : memref<100000x64xf32, #tpu.memory_space<hbm>> -> memref<100000x64xf32, #tpu.memory_space<hbm>>
        tpu.wait_indirect_dma semaphore(%arg9 : memref<!tpu.dma_semaphore, #tpu.memory_space<semaphore_mem>>) src(%dma_wait3A_223 : memref<100000x64xf32, #tpu.memory_space<hbm>>) dst(%dma_wait3A_218 : memref<104x64xf32, #tpu.memory_space<vmem>>)
        %dma_wait3A_224 = arith.constant 0 : i32
        %dma_wait3A_225 = arith.constant 1 : i32
        %dma_wait3A_226 = arith.constant 104 : i32
        %dma_wait3A_227 = arith.constant 0 : i32
        %dma_wait3A_228 = tpu.memref_slice %arg8[%dma_wait3A_224, %dma_wait3A_225, %dma_wait3A_226, %dma_wait3A_227] : memref<2x2x200x64xf32, #tpu.memory_space<vmem>> -> memref<1x1x96x64xf32, #tpu.memory_space<vmem>>
        %dma_wait3A_229 = tpu.memref_squeeze %dma_wait3A_228 : memref<1x1x96x64xf32, #tpu.memory_space<vmem>> -> memref<96x64xf32, #tpu.memory_space<vmem>>
        %dma_wait3A_230 = arith.constant 0 : i32
        %dma_wait3A_231 = tpu.memref_slice %arg7[%dma_wait3A_230] : memref<25600xi32, #tpu.memory_space<vmem>> -> memref<96xi32, #tpu.memory_space<vmem>>
        %dma_wait3A_232 = arith.constant 0 : i32
        %dma_wait3A_233 = arith.constant 0 : i32
        %dma_wait3A_234 = tpu.memref_slice %arg3[%dma_wait3A_232, %dma_wait3A_233] : memref<100000x64xf32, #tpu.memory_space<hbm>> -> memref<100000x64xf32, #tpu.memory_space<hbm>>
        tpu.wait_indirect_dma semaphore(%arg9 : memref<!tpu.dma_semaphore, #tpu.memory_space<semaphore_mem>>) src(%dma_wait3A_234 : memref<100000x64xf32, #tpu.memory_space<hbm>>) dst(%dma_wait3A_229 : memref<96x64xf32, #tpu.memory_space<vmem>>)
        %scan3A_235 = arith.constant 0 : i32
        %scan3A_236 = arith.constant 0 : i32
        %scan3A_237 = arith.constant 200 : i32
        %scan3A_238 = arith.addi %scan3A_236, %scan3A_237 : i32
        %scan3A_239 = arith.constant 2 : i32
        %scan3A_240 = scf.for %scan3A_246 = %scan3A_236 to %scan3A_238 step %scan3A_239 iter_args(%scan3A_247 = %scan3A_235) -> (i32)  : i32 {
          %mul3A_248 = arith.constant 64 : i32
          %mul3A_249 = arith.muli %scan3A_246, %mul3A_248 : i32
          %add3A_250 = arith.constant 0 : i32
          %add3A_251 = arith.addi %mul3A_249, %add3A_250 : i32
          %get3A = arith.index_cast %add3A_251 : i32 to index
          %get3A_252 = tpu.vector_load %arg6[%get3A] {strides = array<i32>} : memref<12800xf32, #tpu.memory_space<vmem>>, vector<16xf32>,
          %get3A_253 = vector.shape_cast %get3A_252 : vector<16xf32> to vector<16xf32>
          %swap3A = arith.constant 0 : i32
          %swap3A_254 = arith.constant 0 : i32
          %swap3A_255 = arith.index_cast %swap3A : i32 to index
          %swap3A_256 = arith.index_cast %swap3A_254 : i32 to index
          %swap3A_257 = arith.index_cast %scan3A_246 : i32 to index
          %swap3A_258 = arith.constant 0 : index
          %swap3A_259 = tpu.vector_load %arg8[%swap3A_255, %swap3A_256, %swap3A_257, %swap3A_258] {strides = array<i32>} : memref<2x2x200x64xf32, #tpu.memory_space<vmem>>, vector<1x1x1x16xf32>,
          %swap3A_260 = vector.shape_cast %swap3A_259 : vector<1x1x1x16xf32> to vector<16xf32>
          %swap3A_261 = vector.shape_cast %get3A_253 : vector<16xf32> to vector<1x1x1x16xf32>
          tpu.vector_store %arg8[%swap3A_255, %swap3A_256, %swap3A_257, %swap3A_258], %swap3A_261 {add = true, strides = array<i32>} : memref<2x2x200x64xf32, #tpu.memory_space<vmem>>, vector<1x1x1x16xf32>,
          %swap3A_262 = arith.constant 0 : i32
          %swap3A_263 = arith.constant 1 : i32
          %swap3A_264 = arith.index_cast %swap3A_262 : i32 to index
          %swap3A_265 = arith.index_cast %swap3A_263 : i32 to index
          %swap3A_266 = arith.index_cast %scan3A_246 : i32 to index
          %swap3A_267 = arith.constant 0 : index
          %swap3A_268 = tpu.vector_load %arg8[%swap3A_264, %swap3A_265, %swap3A_266, %swap3A_267] {strides = array<i32>} : memref<2x2x200x64xf32, #tpu.memory_space<vmem>>, vector<1x1x1x16xf32>,
          %swap3A_269 = vector.shape_cast %swap3A_268 : vector<1x1x1x16xf32> to vector<16xf32>
          %swap3A_270 = vector.shape_cast %get3A_253 : vector<16xf32> to vector<1x1x1x16xf32>
          tpu.vector_store %arg8[%swap3A_264, %swap3A_265, %swap3A_266, %swap3A_267], %swap3A_270 {add = true, strides = array<i32>} : memref<2x2x200x64xf32, #tpu.memory_space<vmem>>, vector<1x1x1x16xf32>,
          %mul3A_271 = arith.constant 64 : i32
          %mul3A_272 = arith.muli %scan3A_246, %mul3A_271 : i32
          %add3A_273 = arith.constant 16 : i32
          %add3A_274 = arith.addi %mul3A_272, %add3A_273 : i32
          %get3A_275 = arith.index_cast %add3A_274 : i32 to index
          %get3A_276 = tpu.vector_load %arg6[%get3A_275] {strides = array<i32>} : memref<12800xf32, #tpu.memory_space<vmem>>, vector<16xf32>,
          %get3A_277 = vector.shape_cast %get3A_276 : vector<16xf32> to vector<16xf32>
          %swap3A_278 = arith.constant 0 : i32
          %swap3A_279 = arith.constant 0 : i32
          %swap3A_280 = arith.index_cast %swap3A_278 : i32 to index
          %swap3A_281 = arith.index_cast %swap3A_279 : i32 to index
          %swap3A_282 = arith.index_cast %scan3A_246 : i32 to index
          %swap3A_283 = arith.constant 16 : index
          %swap3A_284 = tpu.vector_load %arg8[%swap3A_280, %swap3A_281, %swap3A_282, %swap3A_283] {strides = array<i32>} : memref<2x2x200x64xf32, #tpu.memory_space<vmem>>, vector<1x1x1x16xf32>,
          %swap3A_285 = vector.shape_cast %swap3A_284 : vector<1x1x1x16xf32> to vector<16xf32>
          %swap3A_286 = vector.shape_cast %get3A_277 : vector<16xf32> to vector<1x1x1x16xf32>
          tpu.vector_store %arg8[%swap3A_280, %swap3A_281, %swap3A_282, %swap3A_283], %swap3A_286 {add = true, strides = array<i32>} : memref<2x2x200x64xf32, #tpu.memory_space<vmem>>, vector<1x1x1x16xf32>,
          %swap3A_287 = arith.constant 0 : i32
          %swap3A_288 = arith.constant 1 : i32
          %swap3A_289 = arith.index_cast %swap3A_287 : i32 to index
          %swap3A_290 = arith.index_cast %swap3A_288 : i32 to index
          %swap3A_291 = arith.index_cast %scan3A_246 : i32 to index
          %swap3A_292 = arith.constant 16 : index
          %swap3A_293 = tpu.vector_load %arg8[%swap3A_289, %swap3A_290, %swap3A_291, %swap3A_292] {strides = array<i32>} : memref<2x2x200x64xf32, #tpu.memory_space<vmem>>, vector<1x1x1x16xf32>,
          %swap3A_294 = vector.shape_cast %swap3A_293 : vector<1x1x1x16xf32> to vector<16xf32>
          %swap3A_295 = vector.shape_cast %get3A_277 : vector<16xf32> to vector<1x1x1x16xf32>
          tpu.vector_store %arg8[%swap3A_289, %swap3A_290, %swap3A_291, %swap3A_292], %swap3A_295 {add = true, strides = array<i32>} : memref<2x2x200x64xf32, #tpu.memory_space<vmem>>, vector<1x1x1x16xf32>,
          %mul3A_296 = arith.constant 64 : i32
          %mul3A_297 = arith.muli %scan3A_246, %mul3A_296 : i32
          %add3A_298 = arith.constant 32 : i32
          %add3A_299 = arith.addi %mul3A_297, %add3A_298 : i32
          %get3A_300 = arith.index_cast %add3A_299 : i32 to index
          %get3A_301 = tpu.vector_load %arg6[%get3A_300] {strides = array<i32>} : memref<12800xf32, #tpu.memory_space<vmem>>, vector<16xf32>,
          %get3A_302 = vector.shape_cast %get3A_301 : vector<16xf32> to vector<16xf32>
          %swap3A_303 = arith.constant 0 : i32
          %swap3A_304 = arith.constant 0 : i32
          %swap3A_305 = arith.index_cast %swap3A_303 : i32 to index
          %swap3A_306 = arith.index_cast %swap3A_304 : i32 to index
          %swap3A_307 = arith.index_cast %scan3A_246 : i32 to index
          %swap3A_308 = arith.constant 32 : index
          %swap3A_309 = tpu.vector_load %arg8[%swap3A_305, %swap3A_306, %swap3A_307, %swap3A_308] {strides = array<i32>} : memref<2x2x200x64xf32, #tpu.memory_space<vmem>>, vector<1x1x1x16xf32>,
          %swap3A_310 = vector.shape_cast %swap3A_309 : vector<1x1x1x16xf32> to vector<16xf32>
          %swap3A_311 = vector.shape_cast %get3A_302 : vector<16xf32> to vector<1x1x1x16xf32>
          tpu.vector_store %arg8[%swap3A_305, %swap3A_306, %swap3A_307, %swap3A_308], %swap3A_311 {add = true, strides = array<i32>} : memref<2x2x200x64xf32, #tpu.memory_space<vmem>>, vector<1x1x1x16xf32>,
          %swap3A_312 = arith.constant 0 : i32
          %swap3A_313 = arith.constant 1 : i32
          %swap3A_314 = arith.index_cast %swap3A_312 : i32 to index
          %swap3A_315 = arith.index_cast %swap3A_313 : i32 to index
          %swap3A_316 = arith.index_cast %scan3A_246 : i32 to index
          %swap3A_317 = arith.constant 32 : index
          %swap3A_318 = tpu.vector_load %arg8[%swap3A_314, %swap3A_315, %swap3A_316, %swap3A_317] {strides = array<i32>} : memref<2x2x200x64xf32, #tpu.memory_space<vmem>>, vector<1x1x1x16xf32>,
          %swap3A_319 = vector.shape_cast %swap3A_318 : vector<1x1x1x16xf32> to vector<16xf32>
          %swap3A_320 = vector.shape_cast %get3A_302 : vector<16xf32> to vector<1x1x1x16xf32>
          tpu.vector_store %arg8[%swap3A_314, %swap3A_315, %swap3A_316, %swap3A_317], %swap3A_320 {add = true, strides = array<i32>} : memref<2x2x200x64xf32, #tpu.memory_space<vmem>>, vector<1x1x1x16xf32>,
          %mul3A_321 = arith.constant 64 : i32
          %mul3A_322 = arith.muli %scan3A_246, %mul3A_321 : i32
          %add3A_323 = arith.constant 48 : i32
          %add3A_324 = arith.addi %mul3A_322, %add3A_323 : i32
          %get3A_325 = arith.index_cast %add3A_324 : i32 to index
          %get3A_326 = tpu.vector_load %arg6[%get3A_325] {strides = array<i32>} : memref<12800xf32, #tpu.memory_space<vmem>>, vector<16xf32>,
          %get3A_327 = vector.shape_cast %get3A_326 : vector<16xf32> to vector<16xf32>
          %swap3A_328 = arith.constant 0 : i32
          %swap3A_329 = arith.constant 0 : i32
          %swap3A_330 = arith.index_cast %swap3A_328 : i32 to index
          %swap3A_331 = arith.index_cast %swap3A_329 : i32 to index
          %swap3A_332 = arith.index_cast %scan3A_246 : i32 to index
          %swap3A_333 = arith.constant 48 : index
          %swap3A_334 = tpu.vector_load %arg8[%swap3A_330, %swap3A_331, %swap3A_332, %swap3A_333] {strides = array<i32>} : memref<2x2x200x64xf32, #tpu.memory_space<vmem>>, vector<1x1x1x16xf32>,
          %swap3A_335 = vector.shape_cast %swap3A_334 : vector<1x1x1x16xf32> to vector<16xf32>
          %swap3A_336 = vector.shape_cast %get3A_327 : vector<16xf32> to vector<1x1x1x16xf32>
          tpu.vector_store %arg8[%swap3A_330, %swap3A_331, %swap3A_332, %swap3A_333], %swap3A_336 {add = true, strides = array<i32>} : memref<2x2x200x64xf32, #tpu.memory_space<vmem>>, vector<1x1x1x16xf32>,
          %swap3A_337 = arith.constant 0 : i32
          %swap3A_338 = arith.constant 1 : i32
          %swap3A_339 = arith.index_cast %swap3A_337 : i32 to index
          %swap3A_340 = arith.index_cast %swap3A_338 : i32 to index
          %swap3A_341 = arith.index_cast %scan3A_246 : i32 to index
          %swap3A_342 = arith.constant 48 : index
          %swap3A_343 = tpu.vector_load %arg8[%swap3A_339, %swap3A_340, %swap3A_341, %swap3A_342] {strides = array<i32>} : memref<2x2x200x64xf32, #tpu.memory_space<vmem>>, vector<1x1x1x16xf32>,
          %swap3A_344 = vector.shape_cast %swap3A_343 : vector<1x1x1x16xf32> to vector<16xf32>
          %swap3A_345 = vector.shape_cast %get3A_327 : vector<16xf32> to vector<1x1x1x16xf32>
          tpu.vector_store %arg8[%swap3A_339, %swap3A_340, %swap3A_341, %swap3A_342], %swap3A_345 {add = true, strides = array<i32>} : memref<2x2x200x64xf32, #tpu.memory_space<vmem>>, vector<1x1x1x16xf32>,
          %scan3A_346 = arith.constant 0 : i32
          %scan3A_347 = arith.constant 1 : i32
          %scan3A_348 = arith.addi %scan3A_246, %scan3A_347 : i32
          %mul3A_349 = arith.constant 64 : i32
          %mul3A_350 = arith.muli %scan3A_348, %mul3A_349 : i32
          %add3A_351 = arith.constant 0 : i32
          %add3A_352 = arith.addi %mul3A_350, %add3A_351 : i32
          %get3A_353 = arith.index_cast %add3A_352 : i32 to index
          %get3A_354 = tpu.vector_load %arg6[%get3A_353] {strides = array<i32>} : memref<12800xf32, #tpu.memory_space<vmem>>, vector<16xf32>,
          %get3A_355 = vector.shape_cast %get3A_354 : vector<16xf32> to vector<16xf32>
          %swap3A_356 = arith.constant 0 : i32
          %swap3A_357 = arith.constant 0 : i32
          %swap3A_358 = arith.index_cast %swap3A_356 : i32 to index
          %swap3A_359 = arith.index_cast %swap3A_357 : i32 to index
          %swap3A_360 = arith.index_cast %scan3A_348 : i32 to index
          %swap3A_361 = arith.constant 0 : index
          %swap3A_362 = tpu.vector_load %arg8[%swap3A_358, %swap3A_359, %swap3A_360, %swap3A_361] {strides = array<i32>} : memref<2x2x200x64xf32, #tpu.memory_space<vmem>>, vector<1x1x1x16xf32>,
          %swap3A_363 = vector.shape_cast %swap3A_362 : vector<1x1x1x16xf32> to vector<16xf32>
          %swap3A_364 = vector.shape_cast %get3A_355 : vector<16xf32> to vector<1x1x1x16xf32>
          tpu.vector_store %arg8[%swap3A_358, %swap3A_359, %swap3A_360, %swap3A_361], %swap3A_364 {add = true, strides = array<i32>} : memref<2x2x200x64xf32, #tpu.memory_space<vmem>>, vector<1x1x1x16xf32>,
          %swap3A_365 = arith.constant 0 : i32
          %swap3A_366 = arith.constant 1 : i32
          %swap3A_367 = arith.index_cast %swap3A_365 : i32 to index
          %swap3A_368 = arith.index_cast %swap3A_366 : i32 to index
          %swap3A_369 = arith.index_cast %scan3A_348 : i32 to index
          %swap3A_370 = arith.constant 0 : index
          %swap3A_371 = tpu.vector_load %arg8[%swap3A_367, %swap3A_368, %swap3A_369, %swap3A_370] {strides = array<i32>} : memref<2x2x200x64xf32, #tpu.memory_space<vmem>>, vector<1x1x1x16xf32>,
          %swap3A_372 = vector.shape_cast %swap3A_371 : vector<1x1x1x16xf32> to vector<16xf32>
          %swap3A_373 = vector.shape_cast %get3A_355 : vector<16xf32> to vector<1x1x1x16xf32>
          tpu.vector_store %arg8[%swap3A_367, %swap3A_368, %swap3A_369, %swap3A_370], %swap3A_373 {add = true, strides = array<i32>} : memref<2x2x200x64xf32, #tpu.memory_space<vmem>>, vector<1x1x1x16xf32>,
          %mul3A_374 = arith.constant 64 : i32
          %mul3A_375 = arith.muli %scan3A_348, %mul3A_374 : i32
          %add3A_376 = arith.constant 16 : i32
          %add3A_377 = arith.addi %mul3A_375, %add3A_376 : i32
          %get3A_378 = arith.index_cast %add3A_377 : i32 to index
          %get3A_379 = tpu.vector_load %arg6[%get3A_378] {strides = array<i32>} : memref<12800xf32, #tpu.memory_space<vmem>>, vector<16xf32>,
          %get3A_380 = vector.shape_cast %get3A_379 : vector<16xf32> to vector<16xf32>
          %swap3A_381 = arith.constant 0 : i32
          %swap3A_382 = arith.constant 0 : i32
          %swap3A_383 = arith.index_cast %swap3A_381 : i32 to index
          %swap3A_384 = arith.index_cast %swap3A_382 : i32 to index
          %swap3A_385 = arith.index_cast %scan3A_348 : i32 to index
          %swap3A_386 = arith.constant 16 : index
          %swap3A_387 = tpu.vector_load %arg8[%swap3A_383, %swap3A_384, %swap3A_385, %swap3A_386] {strides = array<i32>} : memref<2x2x200x64xf32, #tpu.memory_space<vmem>>, vector<1x1x1x16xf32>,
          %swap3A_388 = vector.shape_cast %swap3A_387 : vector<1x1x1x16xf32> to vector<16xf32>
          %swap3A_389 = vector.shape_cast %get3A_380 : vector<16xf32> to vector<1x1x1x16xf32>
          tpu.vector_store %arg8[%swap3A_383, %swap3A_384, %swap3A_385, %swap3A_386], %swap3A_389 {add = true, strides = array<i32>} : memref<2x2x200x64xf32, #tpu.memory_space<vmem>>, vector<1x1x1x16xf32>,
          %swap3A_390 = arith.constant 0 : i32
          %swap3A_391 = arith.constant 1 : i32
          %swap3A_392 = arith.index_cast %swap3A_390 : i32 to index
          %swap3A_393 = arith.index_cast %swap3A_391 : i32 to index
          %swap3A_394 = arith.index_cast %scan3A_348 : i32 to index
          %swap3A_395 = arith.constant 16 : index
          %swap3A_396 = tpu.vector_load %arg8[%swap3A_392, %swap3A_393, %swap3A_394, %swap3A_395] {strides = array<i32>} : memref<2x2x200x64xf32, #tpu.memory_space<vmem>>, vector<1x1x1x16xf32>,
          %swap3A_397 = vector.shape_cast %swap3A_396 : vector<1x1x1x16xf32> to vector<16xf32>
          %swap3A_398 = vector.shape_cast %get3A_380 : vector<16xf32> to vector<1x1x1x16xf32>
          tpu.vector_store %arg8[%swap3A_392, %swap3A_393, %swap3A_394, %swap3A_395], %swap3A_398 {add = true, strides = array<i32>} : memref<2x2x200x64xf32, #tpu.memory_space<vmem>>, vector<1x1x1x16xf32>,
          %mul3A_399 = arith.constant 64 : i32
          %mul3A_400 = arith.muli %scan3A_348, %mul3A_399 : i32
          %add3A_401 = arith.constant 32 : i32
          %add3A_402 = arith.addi %mul3A_400, %add3A_401 : i32
          %get3A_403 = arith.index_cast %add3A_402 : i32 to index
          %get3A_404 = tpu.vector_load %arg6[%get3A_403] {strides = array<i32>} : memref<12800xf32, #tpu.memory_space<vmem>>, vector<16xf32>,
          %get3A_405 = vector.shape_cast %get3A_404 : vector<16xf32> to vector<16xf32>
          %swap3A_406 = arith.constant 0 : i32
          %swap3A_407 = arith.constant 0 : i32
          %swap3A_408 = arith.index_cast %swap3A_406 : i32 to index
          %swap3A_409 = arith.index_cast %swap3A_407 : i32 to index
          %swap3A_410 = arith.index_cast %scan3A_348 : i32 to index
          %swap3A_411 = arith.constant 32 : index
          %swap3A_412 = tpu.vector_load %arg8[%swap3A_408, %swap3A_409, %swap3A_410, %swap3A_411] {strides = array<i32>} : memref<2x2x200x64xf32, #tpu.memory_space<vmem>>, vector<1x1x1x16xf32>,
          %swap3A_413 = vector.shape_cast %swap3A_412 : vector<1x1x1x16xf32> to vector<16xf32>
          %swap3A_414 = vector.shape_cast %get3A_405 : vector<16xf32> to vector<1x1x1x16xf32>
          tpu.vector_store %arg8[%swap3A_408, %swap3A_409, %swap3A_410, %swap3A_411], %swap3A_414 {add = true, strides = array<i32>} : memref<2x2x200x64xf32, #tpu.memory_space<vmem>>, vector<1x1x1x16xf32>,
          %swap3A_415 = arith.constant 0 : i32
          %swap3A_416 = arith.constant 1 : i32
          %swap3A_417 = arith.index_cast %swap3A_415 : i32 to index
          %swap3A_418 = arith.index_cast %swap3A_416 : i32 to index
          %swap3A_419 = arith.index_cast %scan3A_348 : i32 to index
          %swap3A_420 = arith.constant 32 : index
          %swap3A_421 = tpu.vector_load %arg8[%swap3A_417, %swap3A_418, %swap3A_419, %swap3A_420] {strides = array<i32>} : memref<2x2x200x64xf32, #tpu.memory_space<vmem>>, vector<1x1x1x16xf32>,
          %swap3A_422 = vector.shape_cast %swap3A_421 : vector<1x1x1x16xf32> to vector<16xf32>
          %swap3A_423 = vector.shape_cast %get3A_405 : vector<16xf32> to vector<1x1x1x16xf32>
          tpu.vector_store %arg8[%swap3A_417, %swap3A_418, %swap3A_419, %swap3A_420], %swap3A_423 {add = true, strides = array<i32>} : memref<2x2x200x64xf32, #tpu.memory_space<vmem>>, vector<1x1x1x16xf32>,
          %mul3A_424 = arith.constant 64 : i32
          %mul3A_425 = arith.muli %scan3A_348, %mul3A_424 : i32
          %add3A_426 = arith.constant 48 : i32
          %add3A_427 = arith.addi %mul3A_425, %add3A_426 : i32
          %get3A_428 = arith.index_cast %add3A_427 : i32 to index
          %get3A_429 = tpu.vector_load %arg6[%get3A_428] {strides = array<i32>} : memref<12800xf32, #tpu.memory_space<vmem>>, vector<16xf32>,
          %get3A_430 = vector.shape_cast %get3A_429 : vector<16xf32> to vector<16xf32>
          %swap3A_431 = arith.constant 0 : i32
          %swap3A_432 = arith.constant 0 : i32
          %swap3A_433 = arith.index_cast %swap3A_431 : i32 to index
          %swap3A_434 = arith.index_cast %swap3A_432 : i32 to index
          %swap3A_435 = arith.index_cast %scan3A_348 : i32 to index
          %swap3A_436 = arith.constant 48 : index
          %swap3A_437 = tpu.vector_load %arg8[%swap3A_433, %swap3A_434, %swap3A_435, %swap3A_436] {strides = array<i32>} : memref<2x2x200x64xf32, #tpu.memory_space<vmem>>, vector<1x1x1x16xf32>,
          %swap3A_438 = vector.shape_cast %swap3A_437 : vector<1x1x1x16xf32> to vector<16xf32>
          %swap3A_439 = vector.shape_cast %get3A_430 : vector<16xf32> to vector<1x1x1x16xf32>
          tpu.vector_store %arg8[%swap3A_433, %swap3A_434, %swap3A_435, %swap3A_436], %swap3A_439 {add = true, strides = array<i32>} : memref<2x2x200x64xf32, #tpu.memory_space<vmem>>, vector<1x1x1x16xf32>,
          %swap3A_440 = arith.constant 0 : i32
          %swap3A_441 = arith.constant 1 : i32
          %swap3A_442 = arith.index_cast %swap3A_440 : i32 to index
          %swap3A_443 = arith.index_cast %swap3A_441 : i32 to index
          %swap3A_444 = arith.index_cast %scan3A_348 : i32 to index
          %swap3A_445 = arith.constant 48 : index
          %swap3A_446 = tpu.vector_load %arg8[%swap3A_442, %swap3A_443, %swap3A_444, %swap3A_445] {strides = array<i32>} : memref<2x2x200x64xf32, #tpu.memory_space<vmem>>, vector<1x1x1x16xf32>,
          %swap3A_447 = vector.shape_cast %swap3A_446 : vector<1x1x1x16xf32> to vector<16xf32>
          %swap3A_448 = vector.shape_cast %get3A_430 : vector<16xf32> to vector<1x1x1x16xf32>
          tpu.vector_store %arg8[%swap3A_442, %swap3A_443, %swap3A_444, %swap3A_445], %swap3A_448 {add = true, strides = array<i32>} : memref<2x2x200x64xf32, #tpu.memory_space<vmem>>, vector<1x1x1x16xf32>,
          %scan3A_449 = arith.constant 0 : i32
          scf.yield %scan3A_449 : i32
        }
        %scan3A_241 = arith.constant 200 : i32
        %mul3A_242 = arith.constant 2 : i32
        %mul3A_243 = arith.muli %scan3A_106, %mul3A_242 : i32
        %add3A_244 = arith.addi %mul3A_2, %mul3A_243 : i32
        %run_scoped3A_245 = arith.constant 0 : i32
        "tpu.region"() ({
          %run_scoped3A_246 = tpu.sem_alloc : memref<!tpu.dma_semaphore, #tpu.memory_space<semaphore_mem>>
          %dma_start3A_247 = arith.constant 0 : i32
          %dma_start3A_248 = arith.constant 0 : i32
          %dma_start3A_249 = arith.constant 0 : i32
          %dma_start3A_250 = tpu.memref_slice %arg8[%run_scoped3A_245, %dma_start3A_247, %dma_start3A_248, %dma_start3A_249] : memref<2x2x200x64xf32, #tpu.memory_space<vmem>> -> memref<1x2x200x64xf32, #tpu.memory_space<vmem>>
          %dma_start3A_251 = tpu.memref_squeeze %dma_start3A_250 : memref<1x2x200x64xf32, #tpu.memory_space<vmem>> -> memref<2x200x64xf32, #tpu.memory_space<vmem>>
          %dma_start3A_252 = arith.constant 0 : i32
          %dma_start3A_253 = arith.constant 0 : i32
          %dma_start3A_254 = tpu.memref_slice %arg5[%add3A_244, %dma_start3A_252, %dma_start3A_253] : memref<4096x200x128xf32, #tpu.memory_space<hbm>> -> memref<2x200x64xf32, #tpu.memory_space<hbm>>
          %dma_start3A_255 = arith.constant 0 : i32
          %dma_start3A_256 = arith.constant 0 : i32
          %dma_start3A_257 = tpu.memref_slice %arg5[%add3A_244, %dma_start3A_255, %dma_start3A_256] : memref<4096x200x128xf32, #tpu.memory_space<hbm>> -> memref<2x200x64xf32, #tpu.memory_space<hbm>>
          %dma_start3A_258 = arith.constant 0 : i32
          %dma_start3A_259 = arith.constant 0 : i32
          %dma_start3A_260 = arith.constant 0 : i32
          %dma_start3A_261 = tpu.memref_slice %arg8[%run_scoped3A_245, %dma_start3A_258, %dma_start3A_259, %dma_start3A_260] : memref<2x2x200x64xf32, #tpu.memory_space<vmem>> -> memref<1x2x200x64xf32, #tpu.memory_space<vmem>>
          %dma_start3A_262 = tpu.memref_squeeze %dma_start3A_261 : memref<1x2x200x64xf32, #tpu.memory_space<vmem>> -> memref<2x200x64xf32, #tpu.memory_space<vmem>>
          tpu.enqueue_dma source(%dma_start3A_262 : memref<2x200x64xf32, #tpu.memory_space<vmem>>) target(%dma_start3A_257 : memref<2x200x64xf32, #tpu.memory_space<hbm>>) target_semaphore(%run_scoped3A_246 : memref<!tpu.dma_semaphore, #tpu.memory_space<semaphore_mem>>)
          %dma_wait3A_263 = arith.constant 0 : i32
          %dma_wait3A_264 = arith.constant 0 : i32
          %dma_wait3A_265 = arith.constant 0 : i32
          %dma_wait3A_266 = tpu.memref_slice %arg8[%run_scoped3A_245, %dma_wait3A_263, %dma_wait3A_264, %dma_wait3A_265] : memref<2x2x200x64xf32, #tpu.memory_space<vmem>> -> memref<1x2x200x64xf32, #tpu.memory_space<vmem>>
          %dma_wait3A_267 = tpu.memref_squeeze %dma_wait3A_266 : memref<1x2x200x64xf32, #tpu.memory_space<vmem>> -> memref<2x200x64xf32, #tpu.memory_space<vmem>>
          %dma_wait3A_268 = arith.constant 0 : i32
          %dma_wait3A_269 = arith.constant 0 : i32
          %dma_wait3A_270 = tpu.memref_slice %arg5[%add3A_244, %dma_wait3A_268, %dma_wait3A_269] : memref<4096x200x128xf32, #tpu.memory_space<hbm>> -> memref<2x200x64xf32, #tpu.memory_space<hbm>>
          %dma_wait3A_271 = arith.constant 0 : i32
          %dma_wait3A_272 = arith.constant 0 : i32
          %dma_wait3A_273 = tpu.memref_slice %arg5[%add3A_244, %dma_wait3A_271, %dma_wait3A_272] : memref<4096x200x128xf32, #tpu.memory_space<hbm>> -> memref<2x200x64xf32, #tpu.memory_space<hbm>>
          %dma_wait3A_274 = arith.constant 0 : i32
          %dma_wait3A_275 = arith.constant 0 : i32
          %dma_wait3A_276 = arith.constant 0 : i32
          %dma_wait3A_277 = tpu.memref_slice %arg8[%run_scoped3A_245, %dma_wait3A_274, %dma_wait3A_275, %dma_wait3A_276] : memref<2x2x200x64xf32, #tpu.memory_space<vmem>> -> memref<1x2x200x64xf32, #tpu.memory_space<vmem>>
          %dma_wait3A_278 = tpu.memref_squeeze %dma_wait3A_277 : memref<1x2x200x64xf32, #tpu.memory_space<vmem>> -> memref<2x200x64xf32, #tpu.memory_space<vmem>>
          tpu.wait_dma2 semaphore(%run_scoped3A_246 : memref<!tpu.dma_semaphore, #tpu.memory_space<semaphore_mem>>) src(%dma_wait3A_278 : memref<2x200x64xf32, #tpu.memory_space<vmem>>) dst(%dma_wait3A_273 : memref<2x200x64xf32, #tpu.memory_space<hbm>>)
          tpu.yield
        }) : () -> ()
      } else {
      }
      %eq3A_111 = arith.constant 1 : i32
      %eq3A_112 = arith.cmpi eq, %rem3A_108, %eq3A_111 : i32
      %convert_element_type3A_113 = arith.extui %eq3A_112 : i1 to i32
      %cond3A_114 = arith.constant 0 : i32
      %cond3A_115 = arith.cmpi ne, %convert_element_type3A_113, %cond3A_114 : i32
      scf.if %cond3A_115 {
        %add3A_117 = arith.constant 1 : i32
        %add3A_118 = arith.addi %scan3A_106, %add3A_117 : i32
        %mul3A_119 = arith.constant 2 : i32
        %mul3A_120 = arith.muli %add3A_118, %mul3A_119 : i32
        %add3A_121 = arith.constant 0 : i32
        %add3A_122 = arith.addi %mul3A_120, %add3A_121 : i32
        %mul3A_123 = arith.constant 200 : i32
        %mul3A_124 = arith.muli %add3A_122, %mul3A_123 : i32
        %add3A_125 = arith.constant 0 : i32
        %add3A_126 = arith.addi %mul3A_124, %add3A_125 : i32
        %dma_start3A_127 = arith.constant 0 : i32
        %dma_start3A_128 = arith.constant 0 : i32
        %dma_start3A_129 = arith.constant 0 : i32
        %dma_start3A_130 = arith.constant 0 : i32
        %dma_start3A_131 = tpu.memref_slice %arg8[%dma_start3A_127, %dma_start3A_128, %dma_start3A_129, %dma_start3A_130] : memref<2x2x200x64xf32, #tpu.memory_space<vmem>> -> memref<1x1x104x64xf32, #tpu.memory_space<vmem>>
        %dma_start3A_132 = tpu.memref_squeeze %dma_start3A_131 : memref<1x1x104x64xf32, #tpu.memory_space<vmem>> -> memref<104x64xf32, #tpu.memory_space<vmem>>
        %dma_start3A_133 = tpu.memref_slice %arg7[%add3A_126] : memref<25600xi32, #tpu.memory_space<vmem>> -> memref<104xi32, #tpu.memory_space<vmem>>
        %dma_start3A_134 = arith.constant 0 : i32
        %dma_start3A_135 = arith.constant 0 : i32
        %dma_start3A_136 = tpu.memref_slice %arg3[%dma_start3A_134, %dma_start3A_135] : memref<100000x64xf32, #tpu.memory_space<hbm>> -> memref<100000x64xf32, #tpu.memory_space<hbm>>
        tpu.enqueue_indirect_dma source(%dma_start3A_136 : memref<100000x64xf32, #tpu.memory_space<hbm>>) target(%dma_start3A_132 : memref<104x64xf32, #tpu.memory_space<vmem>>) offsets(%dma_start3A_133 : memref<104xi32, #tpu.memory_space<vmem>>) semaphore(%arg9 : memref<!tpu.dma_semaphore, #tpu.memory_space<semaphore_mem>>)
        %mul3A_137 = arith.constant 2 : i32
        %mul3A_138 = arith.muli %add3A_118, %mul3A_137 : i32
        %add3A_139 = arith.constant 0 : i32
        %add3A_140 = arith.addi %mul3A_138, %add3A_139 : i32
        %mul3A_141 = arith.constant 200 : i32
        %mul3A_142 = arith.muli %add3A_140, %mul3A_141 : i32
        %add3A_143 = arith.constant 104 : i32
        %add3A_144 = arith.addi %mul3A_142, %add3A_143 : i32
        %dma_start3A_145 = arith.constant 0 : i32
        %dma_start3A_146 = arith.constant 0 : i32
        %dma_start3A_147 = arith.constant 104 : i32
        %dma_start3A_148 = arith.constant 0 : i32
        %dma_start3A_149 = tpu.memref_slice %arg8[%dma_start3A_145, %dma_start3A_146, %dma_start3A_147, %dma_start3A_148] : memref<2x2x200x64xf32, #tpu.memory_space<vmem>> -> memref<1x1x96x64xf32, #tpu.memory_space<vmem>>
        %dma_start3A_150 = tpu.memref_squeeze %dma_start3A_149 : memref<1x1x96x64xf32, #tpu.memory_space<vmem>> -> memref<96x64xf32, #tpu.memory_space<vmem>>
        %dma_start3A_151 = tpu.memref_slice %arg7[%add3A_144] : memref<25600xi32, #tpu.memory_space<vmem>> -> memref<96xi32, #tpu.memory_space<vmem>>
        %dma_start3A_152 = arith.constant 0 : i32
        %dma_start3A_153 = arith.constant 0 : i32
        %dma_start3A_154 = tpu.memref_slice %arg3[%dma_start3A_152, %dma_start3A_153] : memref<100000x64xf32, #tpu.memory_space<hbm>> -> memref<100000x64xf32, #tpu.memory_space<hbm>>
        tpu.enqueue_indirect_dma source(%dma_start3A_154 : memref<100000x64xf32, #tpu.memory_space<hbm>>) target(%dma_start3A_150 : memref<96x64xf32, #tpu.memory_space<vmem>>) offsets(%dma_start3A_151 : memref<96xi32, #tpu.memory_space<vmem>>) semaphore(%arg9 : memref<!tpu.dma_semaphore, #tpu.memory_space<semaphore_mem>>)
        %mul3A_155 = arith.constant 2 : i32
        %mul3A_156 = arith.muli %add3A_118, %mul3A_155 : i32
        %add3A_157 = arith.constant 1 : i32
        %add3A_158 = arith.addi %mul3A_156, %add3A_157 : i32
        %mul3A_159 = arith.constant 200 : i32
        %mul3A_160 = arith.muli %add3A_158, %mul3A_159 : i32
        %add3A_161 = arith.constant 0 : i32
        %add3A_162 = arith.addi %mul3A_160, %add3A_161 : i32
        %dma_start3A_163 = arith.constant 0 : i32
        %dma_start3A_164 = arith.constant 1 : i32
        %dma_start3A_165 = arith.constant 0 : i32
        %dma_start3A_166 = arith.constant 0 : i32
        %dma_start3A_167 = tpu.memref_slice %arg8[%dma_start3A_163, %dma_start3A_164, %dma_start3A_165, %dma_start3A_166] : memref<2x2x200x64xf32, #tpu.memory_space<vmem>> -> memref<1x1x104x64xf32, #tpu.memory_space<vmem>>
        %dma_start3A_168 = tpu.memref_squeeze %dma_start3A_167 : memref<1x1x104x64xf32, #tpu.memory_space<vmem>> -> memref<104x64xf32, #tpu.memory_space<vmem>>
        %dma_start3A_169 = tpu.memref_slice %arg7[%add3A_162] : memref<25600xi32, #tpu.memory_space<vmem>> -> memref<104xi32, #tpu.memory_space<vmem>>
        %dma_start3A_170 = arith.constant 0 : i32
        %dma_start3A_171 = arith.constant 0 : i32
        %dma_start3A_172 = tpu.memref_slice %arg3[%dma_start3A_170, %dma_start3A_171] : memref<100000x64xf32, #tpu.memory_space<hbm>> -> memref<100000x64xf32, #tpu.memory_space<hbm>>
        tpu.enqueue_indirect_dma source(%dma_start3A_172 : memref<100000x64xf32, #tpu.memory_space<hbm>>) target(%dma_start3A_168 : memref<104x64xf32, #tpu.memory_space<vmem>>) offsets(%dma_start3A_169 : memref<104xi32, #tpu.memory_space<vmem>>) semaphore(%arg9 : memref<!tpu.dma_semaphore, #tpu.memory_space<semaphore_mem>>)
        %mul3A_173 = arith.constant 2 : i32
        %mul3A_174 = arith.muli %add3A_118, %mul3A_173 : i32
        %add3A_175 = arith.constant 1 : i32
        %add3A_176 = arith.addi %mul3A_174, %add3A_175 : i32
        %mul3A_177 = arith.constant 200 : i32
        %mul3A_178 = arith.muli %add3A_176, %mul3A_177 : i32
        %add3A_179 = arith.constant 104 : i32
        %add3A_180 = arith.addi %mul3A_178, %add3A_179 : i32
        %dma_start3A_181 = arith.constant 0 : i32
        %dma_start3A_182 = arith.constant 1 : i32
        %dma_start3A_183 = arith.constant 104 : i32
        %dma_start3A_184 = arith.constant 0 : i32
        %dma_start3A_185 = tpu.memref_slice %arg8[%dma_start3A_181, %dma_start3A_182, %dma_start3A_183, %dma_start3A_184] : memref<2x2x200x64xf32, #tpu.memory_space<vmem>> -> memref<1x1x96x64xf32, #tpu.memory_space<vmem>>
        %dma_start3A_186 = tpu.memref_squeeze %dma_start3A_185 : memref<1x1x96x64xf32, #tpu.memory_space<vmem>> -> memref<96x64xf32, #tpu.memory_space<vmem>>
        %dma_start3A_187 = tpu.memref_slice %arg7[%add3A_180] : memref<25600xi32, #tpu.memory_space<vmem>> -> memref<96xi32, #tpu.memory_space<vmem>>
        %dma_start3A_188 = arith.constant 0 : i32
        %dma_start3A_189 = arith.constant 0 : i32
        %dma_start3A_190 = tpu.memref_slice %arg3[%dma_start3A_188, %dma_start3A_189] : memref<100000x64xf32, #tpu.memory_space<hbm>> -> memref<100000x64xf32, #tpu.memory_space<hbm>>
        tpu.enqueue_indirect_dma source(%dma_start3A_190 : memref<100000x64xf32, #tpu.memory_space<hbm>>) target(%dma_start3A_186 : memref<96x64xf32, #tpu.memory_space<vmem>>) offsets(%dma_start3A_187 : memref<96xi32, #tpu.memory_space<vmem>>) semaphore(%arg9 : memref<!tpu.dma_semaphore, #tpu.memory_space<semaphore_mem>>)
        %dma_wait3A_191 = arith.constant 1 : i32
        %dma_wait3A_192 = arith.constant 0 : i32
        %dma_wait3A_193 = arith.constant 0 : i32
        %dma_wait3A_194 = arith.constant 0 : i32
        %dma_wait3A_195 = tpu.memref_slice %arg8[%dma_wait3A_191, %dma_wait3A_192, %dma_wait3A_193, %dma_wait3A_194] : memref<2x2x200x64xf32, #tpu.memory_space<vmem>> -> memref<1x1x104x64xf32, #tpu.memory_space<vmem>>
        %dma_wait3A_196 = tpu.memref_squeeze %dma_wait3A_195 : memref<1x1x104x64xf32, #tpu.memory_space<vmem>> -> memref<104x64xf32, #tpu.memory_space<vmem>>
        %dma_wait3A_197 = arith.constant 0 : i32
        %dma_wait3A_198 = tpu.memref_slice %arg7[%dma_wait3A_197] : memref<25600xi32, #tpu.memory_space<vmem>> -> memref<104xi32, #tpu.memory_space<vmem>>
        %dma_wait3A_199 = arith.constant 0 : i32
        %dma_wait3A_200 = arith.constant 0 : i32
        %dma_wait3A_201 = tpu.memref_slice %arg3[%dma_wait3A_199, %dma_wait3A_200] : memref<100000x64xf32, #tpu.memory_space<hbm>> -> memref<100000x64xf32, #tpu.memory_space<hbm>>
        tpu.wait_indirect_dma semaphore(%arg10 : memref<!tpu.dma_semaphore, #tpu.memory_space<semaphore_mem>>) src(%dma_wait3A_201 : memref<100000x64xf32, #tpu.memory_space<hbm>>) dst(%dma_wait3A_196 : memref<104x64xf32, #tpu.memory_space<vmem>>)
        %dma_wait3A_202 = arith.constant 1 : i32
        %dma_wait3A_203 = arith.constant 0 : i32
        %dma_wait3A_204 = arith.constant 104 : i32
        %dma_wait3A_205 = arith.constant 0 : i32
        %dma_wait3A_206 = tpu.memref_slice %arg8[%dma_wait3A_202, %dma_wait3A_203, %dma_wait3A_204, %dma_wait3A_205] : memref<2x2x200x64xf32, #tpu.memory_space<vmem>> -> memref<1x1x96x64xf32, #tpu.memory_space<vmem>>
        %dma_wait3A_207 = tpu.memref_squeeze %dma_wait3A_206 : memref<1x1x96x64xf32, #tpu.memory_space<vmem>> -> memref<96x64xf32, #tpu.memory_space<vmem>>
        %dma_wait3A_208 = arith.constant 0 : i32
        %dma_wait3A_209 = tpu.memref_slice %arg7[%dma_wait3A_208] : memref<25600xi32, #tpu.memory_space<vmem>> -> memref<96xi32, #tpu.memory_space<vmem>>
        %dma_wait3A_210 = arith.constant 0 : i32
        %dma_wait3A_211 = arith.constant 0 : i32
        %dma_wait3A_212 = tpu.memref_slice %arg3[%dma_wait3A_210, %dma_wait3A_211] : memref<100000x64xf32, #tpu.memory_space<hbm>> -> memref<100000x64xf32, #tpu.memory_space<hbm>>
        tpu.wait_indirect_dma semaphore(%arg10 : memref<!tpu.dma_semaphore, #tpu.memory_space<semaphore_mem>>) src(%dma_wait3A_212 : memref<100000x64xf32, #tpu.memory_space<hbm>>) dst(%dma_wait3A_207 : memref<96x64xf32, #tpu.memory_space<vmem>>)
        %dma_wait3A_213 = arith.constant 1 : i32
        %dma_wait3A_214 = arith.constant 1 : i32
        %dma_wait3A_215 = arith.constant 0 : i32
        %dma_wait3A_216 = arith.constant 0 : i32
        %dma_wait3A_217 = tpu.memref_slice %arg8[%dma_wait3A_213, %dma_wait3A_214, %dma_wait3A_215, %dma_wait3A_216] : memref<2x2x200x64xf32, #tpu.memory_space<vmem>> -> memref<1x1x104x64xf32, #tpu.memory_space<vmem>>
        %dma_wait3A_218 = tpu.memref_squeeze %dma_wait3A_217 : memref<1x1x104x64xf32, #tpu.memory_space<vmem>> -> memref<104x64xf32, #tpu.memory_space<vmem>>
        %dma_wait3A_219 = arith.constant 0 : i32
        %dma_wait3A_220 = tpu.memref_slice %arg7[%dma_wait3A_219] : memref<25600xi32, #tpu.memory_space<vmem>> -> memref<104xi32, #tpu.memory_space<vmem>>
        %dma_wait3A_221 = arith.constant 0 : i32
        %dma_wait3A_222 = arith.constant 0 : i32
        %dma_wait3A_223 = tpu.memref_slice %arg3[%dma_wait3A_221, %dma_wait3A_222] : memref<100000x64xf32, #tpu.memory_space<hbm>> -> memref<100000x64xf32, #tpu.memory_space<hbm>>
        tpu.wait_indirect_dma semaphore(%arg10 : memref<!tpu.dma_semaphore, #tpu.memory_space<semaphore_mem>>) src(%dma_wait3A_223 : memref<100000x64xf32, #tpu.memory_space<hbm>>) dst(%dma_wait3A_218 : memref<104x64xf32, #tpu.memory_space<vmem>>)
        %dma_wait3A_224 = arith.constant 1 : i32
        %dma_wait3A_225 = arith.constant 1 : i32
        %dma_wait3A_226 = arith.constant 104 : i32
        %dma_wait3A_227 = arith.constant 0 : i32
        %dma_wait3A_228 = tpu.memref_slice %arg8[%dma_wait3A_224, %dma_wait3A_225, %dma_wait3A_226, %dma_wait3A_227] : memref<2x2x200x64xf32, #tpu.memory_space<vmem>> -> memref<1x1x96x64xf32, #tpu.memory_space<vmem>>
        %dma_wait3A_229 = tpu.memref_squeeze %dma_wait3A_228 : memref<1x1x96x64xf32, #tpu.memory_space<vmem>> -> memref<96x64xf32, #tpu.memory_space<vmem>>
        %dma_wait3A_230 = arith.constant 0 : i32
        %dma_wait3A_231 = tpu.memref_slice %arg7[%dma_wait3A_230] : memref<25600xi32, #tpu.memory_space<vmem>> -> memref<96xi32, #tpu.memory_space<vmem>>
        %dma_wait3A_232 = arith.constant 0 : i32
        %dma_wait3A_233 = arith.constant 0 : i32
        %dma_wait3A_234 = tpu.memref_slice %arg3[%dma_wait3A_232, %dma_wait3A_233] : memref<100000x64xf32, #tpu.memory_space<hbm>> -> memref<100000x64xf32, #tpu.memory_space<hbm>>
        tpu.wait_indirect_dma semaphore(%arg10 : memref<!tpu.dma_semaphore, #tpu.memory_space<semaphore_mem>>) src(%dma_wait3A_234 : memref<100000x64xf32, #tpu.memory_space<hbm>>) dst(%dma_wait3A_229 : memref<96x64xf32, #tpu.memory_space<vmem>>)
        %scan3A_235 = arith.constant 0 : i32
        %scan3A_236 = arith.constant 0 : i32
        %scan3A_237 = arith.constant 200 : i32
        %scan3A_238 = arith.addi %scan3A_236, %scan3A_237 : i32
        %scan3A_239 = arith.constant 2 : i32
        %scan3A_240 = scf.for %scan3A_246 = %scan3A_236 to %scan3A_238 step %scan3A_239 iter_args(%scan3A_247 = %scan3A_235) -> (i32)  : i32 {
          %mul3A_248 = arith.constant 64 : i32
          %mul3A_249 = arith.muli %scan3A_246, %mul3A_248 : i32
          %add3A_250 = arith.constant 0 : i32
          %add3A_251 = arith.addi %mul3A_249, %add3A_250 : i32
          %get3A = arith.index_cast %add3A_251 : i32 to index
          %get3A_252 = tpu.vector_load %arg6[%get3A] {strides = array<i32>} : memref<12800xf32, #tpu.memory_space<vmem>>, vector<16xf32>,
          %get3A_253 = vector.shape_cast %get3A_252 : vector<16xf32> to vector<16xf32>
          %swap3A = arith.constant 1 : i32
          %swap3A_254 = arith.constant 0 : i32
          %swap3A_255 = arith.index_cast %swap3A : i32 to index
          %swap3A_256 = arith.index_cast %swap3A_254 : i32 to index
          %swap3A_257 = arith.index_cast %scan3A_246 : i32 to index
          %swap3A_258 = arith.constant 0 : index
          %swap3A_259 = tpu.vector_load %arg8[%swap3A_255, %swap3A_256, %swap3A_257, %swap3A_258] {strides = array<i32>} : memref<2x2x200x64xf32, #tpu.memory_space<vmem>>, vector<1x1x1x16xf32>,
          %swap3A_260 = vector.shape_cast %swap3A_259 : vector<1x1x1x16xf32> to vector<16xf32>
          %swap3A_261 = vector.shape_cast %get3A_253 : vector<16xf32> to vector<1x1x1x16xf32>
          tpu.vector_store %arg8[%swap3A_255, %swap3A_256, %swap3A_257, %swap3A_258], %swap3A_261 {add = true, strides = array<i32>} : memref<2x2x200x64xf32, #tpu.memory_space<vmem>>, vector<1x1x1x16xf32>,
          %swap3A_262 = arith.constant 1 : i32
          %swap3A_263 = arith.constant 1 : i32
          %swap3A_264 = arith.index_cast %swap3A_262 : i32 to index
          %swap3A_265 = arith.index_cast %swap3A_263 : i32 to index
          %swap3A_266 = arith.index_cast %scan3A_246 : i32 to index
          %swap3A_267 = arith.constant 0 : index
          %swap3A_268 = tpu.vector_load %arg8[%swap3A_264, %swap3A_265, %swap3A_266, %swap3A_267] {strides = array<i32>} : memref<2x2x200x64xf32, #tpu.memory_space<vmem>>, vector<1x1x1x16xf32>,
          %swap3A_269 = vector.shape_cast %swap3A_268 : vector<1x1x1x16xf32> to vector<16xf32>
          %swap3A_270 = vector.shape_cast %get3A_253 : vector<16xf32> to vector<1x1x1x16xf32>
          tpu.vector_store %arg8[%swap3A_264, %swap3A_265, %swap3A_266, %swap3A_267], %swap3A_270 {add = true, strides = array<i32>} : memref<2x2x200x64xf32, #tpu.memory_space<vmem>>, vector<1x1x1x16xf32>,
          %mul3A_271 = arith.constant 64 : i32
          %mul3A_272 = arith.muli %scan3A_246, %mul3A_271 : i32
          %add3A_273 = arith.constant 16 : i32
          %add3A_274 = arith.addi %mul3A_272, %add3A_273 : i32
          %get3A_275 = arith.index_cast %add3A_274 : i32 to index
          %get3A_276 = tpu.vector_load %arg6[%get3A_275] {strides = array<i32>} : memref<12800xf32, #tpu.memory_space<vmem>>, vector<16xf32>,
          %get3A_277 = vector.shape_cast %get3A_276 : vector<16xf32> to vector<16xf32>
          %swap3A_278 = arith.constant 1 : i32
          %swap3A_279 = arith.constant 0 : i32
          %swap3A_280 = arith.index_cast %swap3A_278 : i32 to index
          %swap3A_281 = arith.index_cast %swap3A_279 : i32 to index
          %swap3A_282 = arith.index_cast %scan3A_246 : i32 to index
          %swap3A_283 = arith.constant 16 : index
          %swap3A_284 = tpu.vector_load %arg8[%swap3A_280, %swap3A_281, %swap3A_282, %swap3A_283] {strides = array<i32>} : memref<2x2x200x64xf32, #tpu.memory_space<vmem>>, vector<1x1x1x16xf32>,
          %swap3A_285 = vector.shape_cast %swap3A_284 : vector<1x1x1x16xf32> to vector<16xf32>
          %swap3A_286 = vector.shape_cast %get3A_277 : vector<16xf32> to vector<1x1x1x16xf32>
          tpu.vector_store %arg8[%swap3A_280, %swap3A_281, %swap3A_282, %swap3A_283], %swap3A_286 {add = true, strides = array<i32>} : memref<2x2x200x64xf32, #tpu.memory_space<vmem>>, vector<1x1x1x16xf32>,
          %swap3A_287 = arith.constant 1 : i32
          %swap3A_288 = arith.constant 1 : i32
          %swap3A_289 = arith.index_cast %swap3A_287 : i32 to index
          %swap3A_290 = arith.index_cast %swap3A_288 : i32 to index
          %swap3A_291 = arith.index_cast %scan3A_246 : i32 to index
          %swap3A_292 = arith.constant 16 : index
          %swap3A_293 = tpu.vector_load %arg8[%swap3A_289, %swap3A_290, %swap3A_291, %swap3A_292] {strides = array<i32>} : memref<2x2x200x64xf32, #tpu.memory_space<vmem>>, vector<1x1x1x16xf32>,
          %swap3A_294 = vector.shape_cast %swap3A_293 : vector<1x1x1x16xf32> to vector<16xf32>
          %swap3A_295 = vector.shape_cast %get3A_277 : vector<16xf32> to vector<1x1x1x16xf32>
          tpu.vector_store %arg8[%swap3A_289, %swap3A_290, %swap3A_291, %swap3A_292], %swap3A_295 {add = true, strides = array<i32>} : memref<2x2x200x64xf32, #tpu.memory_space<vmem>>, vector<1x1x1x16xf32>,
          %mul3A_296 = arith.constant 64 : i32
          %mul3A_297 = arith.muli %scan3A_246, %mul3A_296 : i32
          %add3A_298 = arith.constant 32 : i32
          %add3A_299 = arith.addi %mul3A_297, %add3A_298 : i32
          %get3A_300 = arith.index_cast %add3A_299 : i32 to index
          %get3A_301 = tpu.vector_load %arg6[%get3A_300] {strides = array<i32>} : memref<12800xf32, #tpu.memory_space<vmem>>, vector<16xf32>,
          %get3A_302 = vector.shape_cast %get3A_301 : vector<16xf32> to vector<16xf32>
          %swap3A_303 = arith.constant 1 : i32
          %swap3A_304 = arith.constant 0 : i32
          %swap3A_305 = arith.index_cast %swap3A_303 : i32 to index
          %swap3A_306 = arith.index_cast %swap3A_304 : i32 to index
          %swap3A_307 = arith.index_cast %scan3A_246 : i32 to index
          %swap3A_308 = arith.constant 32 : index
          %swap3A_309 = tpu.vector_load %arg8[%swap3A_305, %swap3A_306, %swap3A_307, %swap3A_308] {strides = array<i32>} : memref<2x2x200x64xf32, #tpu.memory_space<vmem>>, vector<1x1x1x16xf32>,
          %swap3A_310 = vector.shape_cast %swap3A_309 : vector<1x1x1x16xf32> to vector<16xf32>
          %swap3A_311 = vector.shape_cast %get3A_302 : vector<16xf32> to vector<1x1x1x16xf32>
          tpu.vector_store %arg8[%swap3A_305, %swap3A_306, %swap3A_307, %swap3A_308], %swap3A_311 {add = true, strides = array<i32>} : memref<2x2x200x64xf32, #tpu.memory_space<vmem>>, vector<1x1x1x16xf32>,
          %swap3A_312 = arith.constant 1 : i32
          %swap3A_313 = arith.constant 1 : i32
          %swap3A_314 = arith.index_cast %swap3A_312 : i32 to index
          %swap3A_315 = arith.index_cast %swap3A_313 : i32 to index
          %swap3A_316 = arith.index_cast %scan3A_246 : i32 to index
          %swap3A_317 = arith.constant 32 : index
          %swap3A_318 = tpu.vector_load %arg8[%swap3A_314, %swap3A_315, %swap3A_316, %swap3A_317] {strides = array<i32>} : memref<2x2x200x64xf32, #tpu.memory_space<vmem>>, vector<1x1x1x16xf32>,
          %swap3A_319 = vector.shape_cast %swap3A_318 : vector<1x1x1x16xf32> to vector<16xf32>
          %swap3A_320 = vector.shape_cast %get3A_302 : vector<16xf32> to vector<1x1x1x16xf32>
          tpu.vector_store %arg8[%swap3A_314, %swap3A_315, %swap3A_316, %swap3A_317], %swap3A_320 {add = true, strides = array<i32>} : memref<2x2x200x64xf32, #tpu.memory_space<vmem>>, vector<1x1x1x16xf32>,
          %mul3A_321 = arith.constant 64 : i32
          %mul3A_322 = arith.muli %scan3A_246, %mul3A_321 : i32
          %add3A_323 = arith.constant 48 : i32
          %add3A_324 = arith.addi %mul3A_322, %add3A_323 : i32
          %get3A_325 = arith.index_cast %add3A_324 : i32 to index
          %get3A_326 = tpu.vector_load %arg6[%get3A_325] {strides = array<i32>} : memref<12800xf32, #tpu.memory_space<vmem>>, vector<16xf32>,
          %get3A_327 = vector.shape_cast %get3A_326 : vector<16xf32> to vector<16xf32>
          %swap3A_328 = arith.constant 1 : i32
          %swap3A_329 = arith.constant 0 : i32
          %swap3A_330 = arith.index_cast %swap3A_328 : i32 to index
          %swap3A_331 = arith.index_cast %swap3A_329 : i32 to index
          %swap3A_332 = arith.index_cast %scan3A_246 : i32 to index
          %swap3A_333 = arith.constant 48 : index
          %swap3A_334 = tpu.vector_load %arg8[%swap3A_330, %swap3A_331, %swap3A_332, %swap3A_333] {strides = array<i32>} : memref<2x2x200x64xf32, #tpu.memory_space<vmem>>, vector<1x1x1x16xf32>,
          %swap3A_335 = vector.shape_cast %swap3A_334 : vector<1x1x1x16xf32> to vector<16xf32>
          %swap3A_336 = vector.shape_cast %get3A_327 : vector<16xf32> to vector<1x1x1x16xf32>
          tpu.vector_store %arg8[%swap3A_330, %swap3A_331, %swap3A_332, %swap3A_333], %swap3A_336 {add = true, strides = array<i32>} : memref<2x2x200x64xf32, #tpu.memory_space<vmem>>, vector<1x1x1x16xf32>,
          %swap3A_337 = arith.constant 1 : i32
          %swap3A_338 = arith.constant 1 : i32
          %swap3A_339 = arith.index_cast %swap3A_337 : i32 to index
          %swap3A_340 = arith.index_cast %swap3A_338 : i32 to index
          %swap3A_341 = arith.index_cast %scan3A_246 : i32 to index
          %swap3A_342 = arith.constant 48 : index
          %swap3A_343 = tpu.vector_load %arg8[%swap3A_339, %swap3A_340, %swap3A_341, %swap3A_342] {strides = array<i32>} : memref<2x2x200x64xf32, #tpu.memory_space<vmem>>, vector<1x1x1x16xf32>,
          %swap3A_344 = vector.shape_cast %swap3A_343 : vector<1x1x1x16xf32> to vector<16xf32>
          %swap3A_345 = vector.shape_cast %get3A_327 : vector<16xf32> to vector<1x1x1x16xf32>
          tpu.vector_store %arg8[%swap3A_339, %swap3A_340, %swap3A_341, %swap3A_342], %swap3A_345 {add = true, strides = array<i32>} : memref<2x2x200x64xf32, #tpu.memory_space<vmem>>, vector<1x1x1x16xf32>,
          %scan3A_346 = arith.constant 0 : i32
          %scan3A_347 = arith.constant 1 : i32
          %scan3A_348 = arith.addi %scan3A_246, %scan3A_347 : i32
          %mul3A_349 = arith.constant 64 : i32
          %mul3A_350 = arith.muli %scan3A_348, %mul3A_349 : i32
          %add3A_351 = arith.constant 0 : i32
          %add3A_352 = arith.addi %mul3A_350, %add3A_351 : i32
          %get3A_353 = arith.index_cast %add3A_352 : i32 to index
          %get3A_354 = tpu.vector_load %arg6[%get3A_353] {strides = array<i32>} : memref<12800xf32, #tpu.memory_space<vmem>>, vector<16xf32>,
          %get3A_355 = vector.shape_cast %get3A_354 : vector<16xf32> to vector<16xf32>
          %swap3A_356 = arith.constant 1 : i32
          %swap3A_357 = arith.constant 0 : i32
          %swap3A_358 = arith.index_cast %swap3A_356 : i32 to index
          %swap3A_359 = arith.index_cast %swap3A_357 : i32 to index
          %swap3A_360 = arith.index_cast %scan3A_348 : i32 to index
          %swap3A_361 = arith.constant 0 : index
          %swap3A_362 = tpu.vector_load %arg8[%swap3A_358, %swap3A_359, %swap3A_360, %swap3A_361] {strides = array<i32>} : memref<2x2x200x64xf32, #tpu.memory_space<vmem>>, vector<1x1x1x16xf32>,
          %swap3A_363 = vector.shape_cast %swap3A_362 : vector<1x1x1x16xf32> to vector<16xf32>
          %swap3A_364 = vector.shape_cast %get3A_355 : vector<16xf32> to vector<1x1x1x16xf32>
          tpu.vector_store %arg8[%swap3A_358, %swap3A_359, %swap3A_360, %swap3A_361], %swap3A_364 {add = true, strides = array<i32>} : memref<2x2x200x64xf32, #tpu.memory_space<vmem>>, vector<1x1x1x16xf32>,
          %swap3A_365 = arith.constant 1 : i32
          %swap3A_366 = arith.constant 1 : i32
          %swap3A_367 = arith.index_cast %swap3A_365 : i32 to index
          %swap3A_368 = arith.index_cast %swap3A_366 : i32 to index
          %swap3A_369 = arith.index_cast %scan3A_348 : i32 to index
          %swap3A_370 = arith.constant 0 : index
          %swap3A_371 = tpu.vector_load %arg8[%swap3A_367, %swap3A_368, %swap3A_369, %swap3A_370] {strides = array<i32>} : memref<2x2x200x64xf32, #tpu.memory_space<vmem>>, vector<1x1x1x16xf32>,
          %swap3A_372 = vector.shape_cast %swap3A_371 : vector<1x1x1x16xf32> to vector<16xf32>
          %swap3A_373 = vector.shape_cast %get3A_355 : vector<16xf32> to vector<1x1x1x16xf32>
          tpu.vector_store %arg8[%swap3A_367, %swap3A_368, %swap3A_369, %swap3A_370], %swap3A_373 {add = true, strides = array<i32>} : memref<2x2x200x64xf32, #tpu.memory_space<vmem>>, vector<1x1x1x16xf32>,
          %mul3A_374 = arith.constant 64 : i32
          %mul3A_375 = arith.muli %scan3A_348, %mul3A_374 : i32
          %add3A_376 = arith.constant 16 : i32
          %add3A_377 = arith.addi %mul3A_375, %add3A_376 : i32
          %get3A_378 = arith.index_cast %add3A_377 : i32 to index
          %get3A_379 = tpu.vector_load %arg6[%get3A_378] {strides = array<i32>} : memref<12800xf32, #tpu.memory_space<vmem>>, vector<16xf32>,
          %get3A_380 = vector.shape_cast %get3A_379 : vector<16xf32> to vector<16xf32>
          %swap3A_381 = arith.constant 1 : i32
          %swap3A_382 = arith.constant 0 : i32
          %swap3A_383 = arith.index_cast %swap3A_381 : i32 to index
          %swap3A_384 = arith.index_cast %swap3A_382 : i32 to index
          %swap3A_385 = arith.index_cast %scan3A_348 : i32 to index
          %swap3A_386 = arith.constant 16 : index
          %swap3A_387 = tpu.vector_load %arg8[%swap3A_383, %swap3A_384, %swap3A_385, %swap3A_386] {strides = array<i32>} : memref<2x2x200x64xf32, #tpu.memory_space<vmem>>, vector<1x1x1x16xf32>,
          %swap3A_388 = vector.shape_cast %swap3A_387 : vector<1x1x1x16xf32> to vector<16xf32>
          %swap3A_389 = vector.shape_cast %get3A_380 : vector<16xf32> to vector<1x1x1x16xf32>
          tpu.vector_store %arg8[%swap3A_383, %swap3A_384, %swap3A_385, %swap3A_386], %swap3A_389 {add = true, strides = array<i32>} : memref<2x2x200x64xf32, #tpu.memory_space<vmem>>, vector<1x1x1x16xf32>,
          %swap3A_390 = arith.constant 1 : i32
          %swap3A_391 = arith.constant 1 : i32
          %swap3A_392 = arith.index_cast %swap3A_390 : i32 to index
          %swap3A_393 = arith.index_cast %swap3A_391 : i32 to index
          %swap3A_394 = arith.index_cast %scan3A_348 : i32 to index
          %swap3A_395 = arith.constant 16 : index
          %swap3A_396 = tpu.vector_load %arg8[%swap3A_392, %swap3A_393, %swap3A_394, %swap3A_395] {strides = array<i32>} : memref<2x2x200x64xf32, #tpu.memory_space<vmem>>, vector<1x1x1x16xf32>,
          %swap3A_397 = vector.shape_cast %swap3A_396 : vector<1x1x1x16xf32> to vector<16xf32>
          %swap3A_398 = vector.shape_cast %get3A_380 : vector<16xf32> to vector<1x1x1x16xf32>
          tpu.vector_store %arg8[%swap3A_392, %swap3A_393, %swap3A_394, %swap3A_395], %swap3A_398 {add = true, strides = array<i32>} : memref<2x2x200x64xf32, #tpu.memory_space<vmem>>, vector<1x1x1x16xf32>,
          %mul3A_399 = arith.constant 64 : i32
          %mul3A_400 = arith.muli %scan3A_348, %mul3A_399 : i32
          %add3A_401 = arith.constant 32 : i32
          %add3A_402 = arith.addi %mul3A_400, %add3A_401 : i32
          %get3A_403 = arith.index_cast %add3A_402 : i32 to index
          %get3A_404 = tpu.vector_load %arg6[%get3A_403] {strides = array<i32>} : memref<12800xf32, #tpu.memory_space<vmem>>, vector<16xf32>,
          %get3A_405 = vector.shape_cast %get3A_404 : vector<16xf32> to vector<16xf32>
          %swap3A_406 = arith.constant 1 : i32
          %swap3A_407 = arith.constant 0 : i32
          %swap3A_408 = arith.index_cast %swap3A_406 : i32 to index
          %swap3A_409 = arith.index_cast %swap3A_407 : i32 to index
          %swap3A_410 = arith.index_cast %scan3A_348 : i32 to index
          %swap3A_411 = arith.constant 32 : index
          %swap3A_412 = tpu.vector_load %arg8[%swap3A_408, %swap3A_409, %swap3A_410, %swap3A_411] {strides = array<i32>} : memref<2x2x200x64xf32, #tpu.memory_space<vmem>>, vector<1x1x1x16xf32>,
          %swap3A_413 = vector.shape_cast %swap3A_412 : vector<1x1x1x16xf32> to vector<16xf32>
          %swap3A_414 = vector.shape_cast %get3A_405 : vector<16xf32> to vector<1x1x1x16xf32>
          tpu.vector_store %arg8[%swap3A_408, %swap3A_409, %swap3A_410, %swap3A_411], %swap3A_414 {add = true, strides = array<i32>} : memref<2x2x200x64xf32, #tpu.memory_space<vmem>>, vector<1x1x1x16xf32>,
          %swap3A_415 = arith.constant 1 : i32
          %swap3A_416 = arith.constant 1 : i32
          %swap3A_417 = arith.index_cast %swap3A_415 : i32 to index
          %swap3A_418 = arith.index_cast %swap3A_416 : i32 to index
          %swap3A_419 = arith.index_cast %scan3A_348 : i32 to index
          %swap3A_420 = arith.constant 32 : index
          %swap3A_421 = tpu.vector_load %arg8[%swap3A_417, %swap3A_418, %swap3A_419, %swap3A_420] {strides = array<i32>} : memref<2x2x200x64xf32, #tpu.memory_space<vmem>>, vector<1x1x1x16xf32>,
          %swap3A_422 = vector.shape_cast %swap3A_421 : vector<1x1x1x16xf32> to vector<16xf32>
          %swap3A_423 = vector.shape_cast %get3A_405 : vector<16xf32> to vector<1x1x1x16xf32>
          tpu.vector_store %arg8[%swap3A_417, %swap3A_418, %swap3A_419, %swap3A_420], %swap3A_423 {add = true, strides = array<i32>} : memref<2x2x200x64xf32, #tpu.memory_space<vmem>>, vector<1x1x1x16xf32>,
          %mul3A_424 = arith.constant 64 : i32
          %mul3A_425 = arith.muli %scan3A_348, %mul3A_424 : i32
          %add3A_426 = arith.constant 48 : i32
          %add3A_427 = arith.addi %mul3A_425, %add3A_426 : i32
          %get3A_428 = arith.index_cast %add3A_427 : i32 to index
          %get3A_429 = tpu.vector_load %arg6[%get3A_428] {strides = array<i32>} : memref<12800xf32, #tpu.memory_space<vmem>>, vector<16xf32>,
          %get3A_430 = vector.shape_cast %get3A_429 : vector<16xf32> to vector<16xf32>
          %swap3A_431 = arith.constant 1 : i32
          %swap3A_432 = arith.constant 0 : i32
          %swap3A_433 = arith.index_cast %swap3A_431 : i32 to index
          %swap3A_434 = arith.index_cast %swap3A_432 : i32 to index
          %swap3A_435 = arith.index_cast %scan3A_348 : i32 to index
          %swap3A_436 = arith.constant 48 : index
          %swap3A_437 = tpu.vector_load %arg8[%swap3A_433, %swap3A_434, %swap3A_435, %swap3A_436] {strides = array<i32>} : memref<2x2x200x64xf32, #tpu.memory_space<vmem>>, vector<1x1x1x16xf32>,
          %swap3A_438 = vector.shape_cast %swap3A_437 : vector<1x1x1x16xf32> to vector<16xf32>
          %swap3A_439 = vector.shape_cast %get3A_430 : vector<16xf32> to vector<1x1x1x16xf32>
          tpu.vector_store %arg8[%swap3A_433, %swap3A_434, %swap3A_435, %swap3A_436], %swap3A_439 {add = true, strides = array<i32>} : memref<2x2x200x64xf32, #tpu.memory_space<vmem>>, vector<1x1x1x16xf32>,
          %swap3A_440 = arith.constant 1 : i32
          %swap3A_441 = arith.constant 1 : i32
          %swap3A_442 = arith.index_cast %swap3A_440 : i32 to index
          %swap3A_443 = arith.index_cast %swap3A_441 : i32 to index
          %swap3A_444 = arith.index_cast %scan3A_348 : i32 to index
          %swap3A_445 = arith.constant 48 : index
          %swap3A_446 = tpu.vector_load %arg8[%swap3A_442, %swap3A_443, %swap3A_444, %swap3A_445] {strides = array<i32>} : memref<2x2x200x64xf32, #tpu.memory_space<vmem>>, vector<1x1x1x16xf32>,
          %swap3A_447 = vector.shape_cast %swap3A_446 : vector<1x1x1x16xf32> to vector<16xf32>
          %swap3A_448 = vector.shape_cast %get3A_430 : vector<16xf32> to vector<1x1x1x16xf32>
          tpu.vector_store %arg8[%swap3A_442, %swap3A_443, %swap3A_444, %swap3A_445], %swap3A_448 {add = true, strides = array<i32>} : memref<2x2x200x64xf32, #tpu.memory_space<vmem>>, vector<1x1x1x16xf32>,
          %scan3A_449 = arith.constant 0 : i32
          scf.yield %scan3A_449 : i32
        }
        %scan3A_241 = arith.constant 200 : i32
        %mul3A_242 = arith.constant 2 : i32
        %mul3A_243 = arith.muli %scan3A_106, %mul3A_242 : i32
        %add3A_244 = arith.addi %mul3A_2, %mul3A_243 : i32
        %run_scoped3A_245 = arith.constant 1 : i32
        "tpu.region"() ({
          %run_scoped3A_246 = tpu.sem_alloc : memref<!tpu.dma_semaphore, #tpu.memory_space<semaphore_mem>>
          %dma_start3A_247 = arith.constant 0 : i32
          %dma_start3A_248 = arith.constant 0 : i32
          %dma_start3A_249 = arith.constant 0 : i32
          %dma_start3A_250 = tpu.memref_slice %arg8[%run_scoped3A_245, %dma_start3A_247, %dma_start3A_248, %dma_start3A_249] : memref<2x2x200x64xf32, #tpu.memory_space<vmem>> -> memref<1x2x200x64xf32, #tpu.memory_space<vmem>>
          %dma_start3A_251 = tpu.memref_squeeze %dma_start3A_250 : memref<1x2x200x64xf32, #tpu.memory_space<vmem>> -> memref<2x200x64xf32, #tpu.memory_space<vmem>>
          %dma_start3A_252 = arith.constant 0 : i32
          %dma_start3A_253 = arith.constant 0 : i32
          %dma_start3A_254 = tpu.memref_slice %arg5[%add3A_244, %dma_start3A_252, %dma_start3A_253] : memref<4096x200x128xf32, #tpu.memory_space<hbm>> -> memref<2x200x64xf32, #tpu.memory_space<hbm>>
          %dma_start3A_255 = arith.constant 0 : i32
          %dma_start3A_256 = arith.constant 0 : i32
          %dma_start3A_257 = tpu.memref_slice %arg5[%add3A_244, %dma_start3A_255, %dma_start3A_256] : memref<4096x200x128xf32, #tpu.memory_space<hbm>> -> memref<2x200x64xf32, #tpu.memory_space<hbm>>
          %dma_start3A_258 = arith.constant 0 : i32
          %dma_start3A_259 = arith.constant 0 : i32
          %dma_start3A_260 = arith.constant 0 : i32
          %dma_start3A_261 = tpu.memref_slice %arg8[%run_scoped3A_245, %dma_start3A_258, %dma_start3A_259, %dma_start3A_260] : memref<2x2x200x64xf32, #tpu.memory_space<vmem>> -> memref<1x2x200x64xf32, #tpu.memory_space<vmem>>
          %dma_start3A_262 = tpu.memref_squeeze %dma_start3A_261 : memref<1x2x200x64xf32, #tpu.memory_space<vmem>> -> memref<2x200x64xf32, #tpu.memory_space<vmem>>
          tpu.enqueue_dma source(%dma_start3A_262 : memref<2x200x64xf32, #tpu.memory_space<vmem>>) target(%dma_start3A_257 : memref<2x200x64xf32, #tpu.memory_space<hbm>>) target_semaphore(%run_scoped3A_246 : memref<!tpu.dma_semaphore, #tpu.memory_space<semaphore_mem>>)
          %dma_wait3A_263 = arith.constant 0 : i32
          %dma_wait3A_264 = arith.constant 0 : i32
          %dma_wait3A_265 = arith.constant 0 : i32
          %dma_wait3A_266 = tpu.memref_slice %arg8[%run_scoped3A_245, %dma_wait3A_263, %dma_wait3A_264, %dma_wait3A_265] : memref<2x2x200x64xf32, #tpu.memory_space<vmem>> -> memref<1x2x200x64xf32, #tpu.memory_space<vmem>>
          %dma_wait3A_267 = tpu.memref_squeeze %dma_wait3A_266 : memref<1x2x200x64xf32, #tpu.memory_space<vmem>> -> memref<2x200x64xf32, #tpu.memory_space<vmem>>
          %dma_wait3A_268 = arith.constant 0 : i32
          %dma_wait3A_269 = arith.constant 0 : i32
          %dma_wait3A_270 = tpu.memref_slice %arg5[%add3A_244, %dma_wait3A_268, %dma_wait3A_269] : memref<4096x200x128xf32, #tpu.memory_space<hbm>> -> memref<2x200x64xf32, #tpu.memory_space<hbm>>
          %dma_wait3A_271 = arith.constant 0 : i32
          %dma_wait3A_272 = arith.constant 0 : i32
          %dma_wait3A_273 = tpu.memref_slice %arg5[%add3A_244, %dma_wait3A_271, %dma_wait3A_272] : memref<4096x200x128xf32, #tpu.memory_space<hbm>> -> memref<2x200x64xf32, #tpu.memory_space<hbm>>
          %dma_wait3A_274 = arith.constant 0 : i32
          %dma_wait3A_275 = arith.constant 0 : i32
          %dma_wait3A_276 = arith.constant 0 : i32
          %dma_wait3A_277 = tpu.memref_slice %arg8[%run_scoped3A_245, %dma_wait3A_274, %dma_wait3A_275, %dma_wait3A_276] : memref<2x2x200x64xf32, #tpu.memory_space<vmem>> -> memref<1x2x200x64xf32, #tpu.memory_space<vmem>>
          %dma_wait3A_278 = tpu.memref_squeeze %dma_wait3A_277 : memref<1x2x200x64xf32, #tpu.memory_space<vmem>> -> memref<2x200x64xf32, #tpu.memory_space<vmem>>
          tpu.wait_dma2 semaphore(%run_scoped3A_246 : memref<!tpu.dma_semaphore, #tpu.memory_space<semaphore_mem>>) src(%dma_wait3A_278 : memref<2x200x64xf32, #tpu.memory_space<vmem>>) dst(%dma_wait3A_273 : memref<2x200x64xf32, #tpu.memory_space<hbm>>)
          tpu.yield
        }) : () -> ()
      } else {
      }
      %scan3A_116 = arith.constant 0 : i32
      scf.yield %scan3A_116 : i32
    }
    %scan3A_53 = arith.constant 63 : i32
    %dma_wait3A = arith.constant 1 : i32
    %dma_wait3A_54 = arith.constant 0 : i32
    %dma_wait3A_55 = arith.constant 0 : i32
    %dma_wait3A_56 = arith.constant 0 : i32
    %dma_wait3A_57 = tpu.memref_slice %arg8[%dma_wait3A, %dma_wait3A_54, %dma_wait3A_55, %dma_wait3A_56] : memref<2x2x200x64xf32, #tpu.memory_space<vmem>> -> memref<1x1x104x64xf32, #tpu.memory_space<vmem>>
    %dma_wait3A_58 = tpu.memref_squeeze %dma_wait3A_57 : memref<1x1x104x64xf32, #tpu.memory_space<vmem>> -> memref<104x64xf32, #tpu.memory_space<vmem>>
    %dma_wait3A_59 = arith.constant 0 : i32
    %dma_wait3A_60 = tpu.memref_slice %arg7[%dma_wait3A_59] : memref<25600xi32, #tpu.memory_space<vmem>> -> memref<104xi32, #tpu.memory_space<vmem>>
    %dma_wait3A_61 = arith.constant 0 : i32
    %dma_wait3A_62 = arith.constant 0 : i32
    %dma_wait3A_63 = tpu.memref_slice %arg3[%dma_wait3A_61, %dma_wait3A_62] : memref<100000x64xf32, #tpu.memory_space<hbm>> -> memref<100000x64xf32, #tpu.memory_space<hbm>>
    tpu.wait_indirect_dma semaphore(%arg10 : memref<!tpu.dma_semaphore, #tpu.memory_space<semaphore_mem>>) src(%dma_wait3A_63 : memref<100000x64xf32, #tpu.memory_space<hbm>>) dst(%dma_wait3A_58 : memref<104x64xf32, #tpu.memory_space<vmem>>)
    %dma_wait3A_64 = arith.constant 1 : i32
    %dma_wait3A_65 = arith.constant 0 : i32
    %dma_wait3A_66 = arith.constant 104 : i32
    %dma_wait3A_67 = arith.constant 0 : i32
    %dma_wait3A_68 = tpu.memref_slice %arg8[%dma_wait3A_64, %dma_wait3A_65, %dma_wait3A_66, %dma_wait3A_67] : memref<2x2x200x64xf32, #tpu.memory_space<vmem>> -> memref<1x1x96x64xf32, #tpu.memory_space<vmem>>
    %dma_wait3A_69 = tpu.memref_squeeze %dma_wait3A_68 : memref<1x1x96x64xf32, #tpu.memory_space<vmem>> -> memref<96x64xf32, #tpu.memory_space<vmem>>
    %dma_wait3A_70 = arith.constant 0 : i32
    %dma_wait3A_71 = tpu.memref_slice %arg7[%dma_wait3A_70] : memref<25600xi32, #tpu.memory_space<vmem>> -> memref<96xi32, #tpu.memory_space<vmem>>
    %dma_wait3A_72 = arith.constant 0 : i32
    %dma_wait3A_73 = arith.constant 0 : i32
    %dma_wait3A_74 = tpu.memref_slice %arg3[%dma_wait3A_72, %dma_wait3A_73] : memref<100000x64xf32, #tpu.memory_space<hbm>> -> memref<100000x64xf32, #tpu.memory_space<hbm>>
    tpu.wait_indirect_dma semaphore(%arg10 : memref<!tpu.dma_semaphore, #tpu.memory_space<semaphore_mem>>) src(%dma_wait3A_74 : memref<100000x64xf32, #tpu.memory_space<hbm>>) dst(%dma_wait3A_69 : memref<96x64xf32, #tpu.memory_space<vmem>>)
    %dma_wait3A_75 = arith.constant 1 : i32
    %dma_wait3A_76 = arith.constant 1 : i32
    %dma_wait3A_77 = arith.constant 0 : i32
    %dma_wait3A_78 = arith.constant 0 : i32
    %dma_wait3A_79 = tpu.memref_slice %arg8[%dma_wait3A_75, %dma_wait3A_76, %dma_wait3A_77, %dma_wait3A_78] : memref<2x2x200x64xf32, #tpu.memory_space<vmem>> -> memref<1x1x104x64xf32, #tpu.memory_space<vmem>>
    %dma_wait3A_80 = tpu.memref_squeeze %dma_wait3A_79 : memref<1x1x104x64xf32, #tpu.memory_space<vmem>> -> memref<104x64xf32, #tpu.memory_space<vmem>>
    %dma_wait3A_81 = arith.constant 0 : i32
    %dma_wait3A_82 = tpu.memref_slice %arg7[%dma_wait3A_81] : memref<25600xi32, #tpu.memory_space<vmem>> -> memref<104xi32, #tpu.memory_space<vmem>>
    %dma_wait3A_83 = arith.constant 0 : i32
    %dma_wait3A_84 = arith.constant 0 : i32
    %dma_wait3A_85 = tpu.memref_slice %arg3[%dma_wait3A_83, %dma_wait3A_84] : memref<100000x64xf32, #tpu.memory_space<hbm>> -> memref<100000x64xf32, #tpu.memory_space<hbm>>
    tpu.wait_indirect_dma semaphore(%arg10 : memref<!tpu.dma_semaphore, #tpu.memory_space<semaphore_mem>>) src(%dma_wait3A_85 : memref<100000x64xf32, #tpu.memory_space<hbm>>) dst(%dma_wait3A_80 : memref<104x64xf32, #tpu.memory_space<vmem>>)
    %dma_wait3A_86 = arith.constant 1 : i32
    %dma_wait3A_87 = arith.constant 1 : i32
    %dma_wait3A_88 = arith.constant 104 : i32
    %dma_wait3A_89 = arith.constant 0 : i32
    %dma_wait3A_90 = tpu.memref_slice %arg8[%dma_wait3A_86, %dma_wait3A_87, %dma_wait3A_88, %dma_wait3A_89] : memref<2x2x200x64xf32, #tpu.memory_space<vmem>> -> memref<1x1x96x64xf32, #tpu.memory_space<vmem>>
    %dma_wait3A_91 = tpu.memref_squeeze %dma_wait3A_90 : memref<1x1x96x64xf32, #tpu.memory_space<vmem>> -> memref<96x64xf32, #tpu.memory_space<vmem>>
    %dma_wait3A_92 = arith.constant 0 : i32
    %dma_wait3A_93 = tpu.memref_slice %arg7[%dma_wait3A_92] : memref<25600xi32, #tpu.memory_space<vmem>> -> memref<96xi32, #tpu.memory_space<vmem>>
    %dma_wait3A_94 = arith.constant 0 : i32
    %dma_wait3A_95 = arith.constant 0 : i32
    %dma_wait3A_96 = tpu.memref_slice %arg3[%dma_wait3A_94, %dma_wait3A_95] : memref<100000x64xf32, #tpu.memory_space<hbm>> -> memref<100000x64xf32, #tpu.memory_space<hbm>>
    tpu.wait_indirect_dma semaphore(%arg10 : memref<!tpu.dma_semaphore, #tpu.memory_space<semaphore_mem>>) src(%dma_wait3A_96 : memref<100000x64xf32, #tpu.memory_space<hbm>>) dst(%dma_wait3A_91 : memref<96x64xf32, #tpu.memory_space<vmem>>)
    %scan3A_97 = arith.constant 0 : i32
    %scan3A_98 = arith.constant 0 : i32
    %scan3A_99 = arith.constant 200 : i32
    %scan3A_100 = arith.addi %scan3A_98, %scan3A_99 : i32
    %scan3A_101 = arith.constant 2 : i32
    %scan3A_102 = scf.for %scan3A_106 = %scan3A_98 to %scan3A_100 step %scan3A_101 iter_args(%scan3A_107 = %scan3A_97) -> (i32)  : i32 {
      %mul3A_108 = arith.constant 64 : i32
      %mul3A_109 = arith.muli %scan3A_106, %mul3A_108 : i32
      %add3A_110 = arith.constant 0 : i32
      %add3A_111 = arith.addi %mul3A_109, %add3A_110 : i32
      %get3A = arith.index_cast %add3A_111 : i32 to index
      %get3A_112 = tpu.vector_load %arg6[%get3A] {strides = array<i32>} : memref<12800xf32, #tpu.memory_space<vmem>>, vector<16xf32>,
      %get3A_113 = vector.shape_cast %get3A_112 : vector<16xf32> to vector<16xf32>
      %swap3A = arith.constant 1 : i32
      %swap3A_114 = arith.constant 0 : i32
      %swap3A_115 = arith.index_cast %swap3A : i32 to index
      %swap3A_116 = arith.index_cast %swap3A_114 : i32 to index
      %swap3A_117 = arith.index_cast %scan3A_106 : i32 to index
      %swap3A_118 = arith.constant 0 : index
      %swap3A_119 = tpu.vector_load %arg8[%swap3A_115, %swap3A_116, %swap3A_117, %swap3A_118] {strides = array<i32>} : memref<2x2x200x64xf32, #tpu.memory_space<vmem>>, vector<1x1x1x16xf32>,
      %swap3A_120 = vector.shape_cast %swap3A_119 : vector<1x1x1x16xf32> to vector<16xf32>
      %swap3A_121 = vector.shape_cast %get3A_113 : vector<16xf32> to vector<1x1x1x16xf32>
      tpu.vector_store %arg8[%swap3A_115, %swap3A_116, %swap3A_117, %swap3A_118], %swap3A_121 {add = true, strides = array<i32>} : memref<2x2x200x64xf32, #tpu.memory_space<vmem>>, vector<1x1x1x16xf32>,
      %swap3A_122 = arith.constant 1 : i32
      %swap3A_123 = arith.constant 1 : i32
      %swap3A_124 = arith.index_cast %swap3A_122 : i32 to index
      %swap3A_125 = arith.index_cast %swap3A_123 : i32 to index
      %swap3A_126 = arith.index_cast %scan3A_106 : i32 to index
      %swap3A_127 = arith.constant 0 : index
      %swap3A_128 = tpu.vector_load %arg8[%swap3A_124, %swap3A_125, %swap3A_126, %swap3A_127] {strides = array<i32>} : memref<2x2x200x64xf32, #tpu.memory_space<vmem>>, vector<1x1x1x16xf32>,
      %swap3A_129 = vector.shape_cast %swap3A_128 : vector<1x1x1x16xf32> to vector<16xf32>
      %swap3A_130 = vector.shape_cast %get3A_113 : vector<16xf32> to vector<1x1x1x16xf32>
      tpu.vector_store %arg8[%swap3A_124, %swap3A_125, %swap3A_126, %swap3A_127], %swap3A_130 {add = true, strides = array<i32>} : memref<2x2x200x64xf32, #tpu.memory_space<vmem>>, vector<1x1x1x16xf32>,
      %mul3A_131 = arith.constant 64 : i32
      %mul3A_132 = arith.muli %scan3A_106, %mul3A_131 : i32
      %add3A_133 = arith.constant 16 : i32
      %add3A_134 = arith.addi %mul3A_132, %add3A_133 : i32
      %get3A_135 = arith.index_cast %add3A_134 : i32 to index
      %get3A_136 = tpu.vector_load %arg6[%get3A_135] {strides = array<i32>} : memref<12800xf32, #tpu.memory_space<vmem>>, vector<16xf32>,
      %get3A_137 = vector.shape_cast %get3A_136 : vector<16xf32> to vector<16xf32>
      %swap3A_138 = arith.constant 1 : i32
      %swap3A_139 = arith.constant 0 : i32
      %swap3A_140 = arith.index_cast %swap3A_138 : i32 to index
      %swap3A_141 = arith.index_cast %swap3A_139 : i32 to index
      %swap3A_142 = arith.index_cast %scan3A_106 : i32 to index
      %swap3A_143 = arith.constant 16 : index
      %swap3A_144 = tpu.vector_load %arg8[%swap3A_140, %swap3A_141, %swap3A_142, %swap3A_143] {strides = array<i32>} : memref<2x2x200x64xf32, #tpu.memory_space<vmem>>, vector<1x1x1x16xf32>,
      %swap3A_145 = vector.shape_cast %swap3A_144 : vector<1x1x1x16xf32> to vector<16xf32>
      %swap3A_146 = vector.shape_cast %get3A_137 : vector<16xf32> to vector<1x1x1x16xf32>
      tpu.vector_store %arg8[%swap3A_140, %swap3A_141, %swap3A_142, %swap3A_143], %swap3A_146 {add = true, strides = array<i32>} : memref<2x2x200x64xf32, #tpu.memory_space<vmem>>, vector<1x1x1x16xf32>,
      %swap3A_147 = arith.constant 1 : i32
      %swap3A_148 = arith.constant 1 : i32
      %swap3A_149 = arith.index_cast %swap3A_147 : i32 to index
      %swap3A_150 = arith.index_cast %swap3A_148 : i32 to index
      %swap3A_151 = arith.index_cast %scan3A_106 : i32 to index
      %swap3A_152 = arith.constant 16 : index
      %swap3A_153 = tpu.vector_load %arg8[%swap3A_149, %swap3A_150, %swap3A_151, %swap3A_152] {strides = array<i32>} : memref<2x2x200x64xf32, #tpu.memory_space<vmem>>, vector<1x1x1x16xf32>,
      %swap3A_154 = vector.shape_cast %swap3A_153 : vector<1x1x1x16xf32> to vector<16xf32>
      %swap3A_155 = vector.shape_cast %get3A_137 : vector<16xf32> to vector<1x1x1x16xf32>
      tpu.vector_store %arg8[%swap3A_149, %swap3A_150, %swap3A_151, %swap3A_152], %swap3A_155 {add = true, strides = array<i32>} : memref<2x2x200x64xf32, #tpu.memory_space<vmem>>, vector<1x1x1x16xf32>,
      %mul3A_156 = arith.constant 64 : i32
      %mul3A_157 = arith.muli %scan3A_106, %mul3A_156 : i32
      %add3A_158 = arith.constant 32 : i32
      %add3A_159 = arith.addi %mul3A_157, %add3A_158 : i32
      %get3A_160 = arith.index_cast %add3A_159 : i32 to index
      %get3A_161 = tpu.vector_load %arg6[%get3A_160] {strides = array<i32>} : memref<12800xf32, #tpu.memory_space<vmem>>, vector<16xf32>,
      %get3A_162 = vector.shape_cast %get3A_161 : vector<16xf32> to vector<16xf32>
      %swap3A_163 = arith.constant 1 : i32
      %swap3A_164 = arith.constant 0 : i32
      %swap3A_165 = arith.index_cast %swap3A_163 : i32 to index
      %swap3A_166 = arith.index_cast %swap3A_164 : i32 to index
      %swap3A_167 = arith.index_cast %scan3A_106 : i32 to index
      %swap3A_168 = arith.constant 32 : index
      %swap3A_169 = tpu.vector_load %arg8[%swap3A_165, %swap3A_166, %swap3A_167, %swap3A_168] {strides = array<i32>} : memref<2x2x200x64xf32, #tpu.memory_space<vmem>>, vector<1x1x1x16xf32>,
      %swap3A_170 = vector.shape_cast %swap3A_169 : vector<1x1x1x16xf32> to vector<16xf32>
      %swap3A_171 = vector.shape_cast %get3A_162 : vector<16xf32> to vector<1x1x1x16xf32>
      tpu.vector_store %arg8[%swap3A_165, %swap3A_166, %swap3A_167, %swap3A_168], %swap3A_171 {add = true, strides = array<i32>} : memref<2x2x200x64xf32, #tpu.memory_space<vmem>>, vector<1x1x1x16xf32>,
      %swap3A_172 = arith.constant 1 : i32
      %swap3A_173 = arith.constant 1 : i32
      %swap3A_174 = arith.index_cast %swap3A_172 : i32 to index
      %swap3A_175 = arith.index_cast %swap3A_173 : i32 to index
      %swap3A_176 = arith.index_cast %scan3A_106 : i32 to index
      %swap3A_177 = arith.constant 32 : index
      %swap3A_178 = tpu.vector_load %arg8[%swap3A_174, %swap3A_175, %swap3A_176, %swap3A_177] {strides = array<i32>} : memref<2x2x200x64xf32, #tpu.memory_space<vmem>>, vector<1x1x1x16xf32>,
      %swap3A_179 = vector.shape_cast %swap3A_178 : vector<1x1x1x16xf32> to vector<16xf32>
      %swap3A_180 = vector.shape_cast %get3A_162 : vector<16xf32> to vector<1x1x1x16xf32>
      tpu.vector_store %arg8[%swap3A_174, %swap3A_175, %swap3A_176, %swap3A_177], %swap3A_180 {add = true, strides = array<i32>} : memref<2x2x200x64xf32, #tpu.memory_space<vmem>>, vector<1x1x1x16xf32>,
      %mul3A_181 = arith.constant 64 : i32
      %mul3A_182 = arith.muli %scan3A_106, %mul3A_181 : i32
      %add3A_183 = arith.constant 48 : i32
      %add3A_184 = arith.addi %mul3A_182, %add3A_183 : i32
      %get3A_185 = arith.index_cast %add3A_184 : i32 to index
      %get3A_186 = tpu.vector_load %arg6[%get3A_185] {strides = array<i32>} : memref<12800xf32, #tpu.memory_space<vmem>>, vector<16xf32>,
      %get3A_187 = vector.shape_cast %get3A_186 : vector<16xf32> to vector<16xf32>
      %swap3A_188 = arith.constant 1 : i32
      %swap3A_189 = arith.constant 0 : i32
      %swap3A_190 = arith.index_cast %swap3A_188 : i32 to index
      %swap3A_191 = arith.index_cast %swap3A_189 : i32 to index
      %swap3A_192 = arith.index_cast %scan3A_106 : i32 to index
      %swap3A_193 = arith.constant 48 : index
      %swap3A_194 = tpu.vector_load %arg8[%swap3A_190, %swap3A_191, %swap3A_192, %swap3A_193] {strides = array<i32>} : memref<2x2x200x64xf32, #tpu.memory_space<vmem>>, vector<1x1x1x16xf32>,
      %swap3A_195 = vector.shape_cast %swap3A_194 : vector<1x1x1x16xf32> to vector<16xf32>
      %swap3A_196 = vector.shape_cast %get3A_187 : vector<16xf32> to vector<1x1x1x16xf32>
      tpu.vector_store %arg8[%swap3A_190, %swap3A_191, %swap3A_192, %swap3A_193], %swap3A_196 {add = true, strides = array<i32>} : memref<2x2x200x64xf32, #tpu.memory_space<vmem>>, vector<1x1x1x16xf32>,
      %swap3A_197 = arith.constant 1 : i32
      %swap3A_198 = arith.constant 1 : i32
      %swap3A_199 = arith.index_cast %swap3A_197 : i32 to index
      %swap3A_200 = arith.index_cast %swap3A_198 : i32 to index
      %swap3A_201 = arith.index_cast %scan3A_106 : i32 to index
      %swap3A_202 = arith.constant 48 : index
      %swap3A_203 = tpu.vector_load %arg8[%swap3A_199, %swap3A_200, %swap3A_201, %swap3A_202] {strides = array<i32>} : memref<2x2x200x64xf32, #tpu.memory_space<vmem>>, vector<1x1x1x16xf32>,
      %swap3A_204 = vector.shape_cast %swap3A_203 : vector<1x1x1x16xf32> to vector<16xf32>
      %swap3A_205 = vector.shape_cast %get3A_187 : vector<16xf32> to vector<1x1x1x16xf32>
      tpu.vector_store %arg8[%swap3A_199, %swap3A_200, %swap3A_201, %swap3A_202], %swap3A_205 {add = true, strides = array<i32>} : memref<2x2x200x64xf32, #tpu.memory_space<vmem>>, vector<1x1x1x16xf32>,
      %scan3A_206 = arith.constant 0 : i32
      %scan3A_207 = arith.constant 1 : i32
      %scan3A_208 = arith.addi %scan3A_106, %scan3A_207 : i32
      %mul3A_209 = arith.constant 64 : i32
      %mul3A_210 = arith.muli %scan3A_208, %mul3A_209 : i32
      %add3A_211 = arith.constant 0 : i32
      %add3A_212 = arith.addi %mul3A_210, %add3A_211 : i32
      %get3A_213 = arith.index_cast %add3A_212 : i32 to index
      %get3A_214 = tpu.vector_load %arg6[%get3A_213] {strides = array<i32>} : memref<12800xf32, #tpu.memory_space<vmem>>, vector<16xf32>,
      %get3A_215 = vector.shape_cast %get3A_214 : vector<16xf32> to vector<16xf32>
      %swap3A_216 = arith.constant 1 : i32
      %swap3A_217 = arith.constant 0 : i32
      %swap3A_218 = arith.index_cast %swap3A_216 : i32 to index
      %swap3A_219 = arith.index_cast %swap3A_217 : i32 to index
      %swap3A_220 = arith.index_cast %scan3A_208 : i32 to index
      %swap3A_221 = arith.constant 0 : index
      %swap3A_222 = tpu.vector_load %arg8[%swap3A_218, %swap3A_219, %swap3A_220, %swap3A_221] {strides = array<i32>} : memref<2x2x200x64xf32, #tpu.memory_space<vmem>>, vector<1x1x1x16xf32>,
      %swap3A_223 = vector.shape_cast %swap3A_222 : vector<1x1x1x16xf32> to vector<16xf32>
      %swap3A_224 = vector.shape_cast %get3A_215 : vector<16xf32> to vector<1x1x1x16xf32>
      tpu.vector_store %arg8[%swap3A_218, %swap3A_219, %swap3A_220, %swap3A_221], %swap3A_224 {add = true, strides = array<i32>} : memref<2x2x200x64xf32, #tpu.memory_space<vmem>>, vector<1x1x1x16xf32>,
      %swap3A_225 = arith.constant 1 : i32
      %swap3A_226 = arith.constant 1 : i32
      %swap3A_227 = arith.index_cast %swap3A_225 : i32 to index
      %swap3A_228 = arith.index_cast %swap3A_226 : i32 to index
      %swap3A_229 = arith.index_cast %scan3A_208 : i32 to index
      %swap3A_230 = arith.constant 0 : index
      %swap3A_231 = tpu.vector_load %arg8[%swap3A_227, %swap3A_228, %swap3A_229, %swap3A_230] {strides = array<i32>} : memref<2x2x200x64xf32, #tpu.memory_space<vmem>>, vector<1x1x1x16xf32>,
      %swap3A_232 = vector.shape_cast %swap3A_231 : vector<1x1x1x16xf32> to vector<16xf32>
      %swap3A_233 = vector.shape_cast %get3A_215 : vector<16xf32> to vector<1x1x1x16xf32>
      tpu.vector_store %arg8[%swap3A_227, %swap3A_228, %swap3A_229, %swap3A_230], %swap3A_233 {add = true, strides = array<i32>} : memref<2x2x200x64xf32, #tpu.memory_space<vmem>>, vector<1x1x1x16xf32>,
      %mul3A_234 = arith.constant 64 : i32
      %mul3A_235 = arith.muli %scan3A_208, %mul3A_234 : i32
      %add3A_236 = arith.constant 16 : i32
      %add3A_237 = arith.addi %mul3A_235, %add3A_236 : i32
      %get3A_238 = arith.index_cast %add3A_237 : i32 to index
      %get3A_239 = tpu.vector_load %arg6[%get3A_238] {strides = array<i32>} : memref<12800xf32, #tpu.memory_space<vmem>>, vector<16xf32>,
      %get3A_240 = vector.shape_cast %get3A_239 : vector<16xf32> to vector<16xf32>
      %swap3A_241 = arith.constant 1 : i32
      %swap3A_242 = arith.constant 0 : i32
      %swap3A_243 = arith.index_cast %swap3A_241 : i32 to index
      %swap3A_244 = arith.index_cast %swap3A_242 : i32 to index
      %swap3A_245 = arith.index_cast %scan3A_208 : i32 to index
      %swap3A_246 = arith.constant 16 : index
      %swap3A_247 = tpu.vector_load %arg8[%swap3A_243, %swap3A_244, %swap3A_245, %swap3A_246] {strides = array<i32>} : memref<2x2x200x64xf32, #tpu.memory_space<vmem>>, vector<1x1x1x16xf32>,
      %swap3A_248 = vector.shape_cast %swap3A_247 : vector<1x1x1x16xf32> to vector<16xf32>
      %swap3A_249 = vector.shape_cast %get3A_240 : vector<16xf32> to vector<1x1x1x16xf32>
      tpu.vector_store %arg8[%swap3A_243, %swap3A_244, %swap3A_245, %swap3A_246], %swap3A_249 {add = true, strides = array<i32>} : memref<2x2x200x64xf32, #tpu.memory_space<vmem>>, vector<1x1x1x16xf32>,
      %swap3A_250 = arith.constant 1 : i32
      %swap3A_251 = arith.constant 1 : i32
      %swap3A_252 = arith.index_cast %swap3A_250 : i32 to index
      %swap3A_253 = arith.index_cast %swap3A_251 : i32 to index
      %swap3A_254 = arith.index_cast %scan3A_208 : i32 to index
      %swap3A_255 = arith.constant 16 : index
      %swap3A_256 = tpu.vector_load %arg8[%swap3A_252, %swap3A_253, %swap3A_254, %swap3A_255] {strides = array<i32>} : memref<2x2x200x64xf32, #tpu.memory_space<vmem>>, vector<1x1x1x16xf32>,
      %swap3A_257 = vector.shape_cast %swap3A_256 : vector<1x1x1x16xf32> to vector<16xf32>
      %swap3A_258 = vector.shape_cast %get3A_240 : vector<16xf32> to vector<1x1x1x16xf32>
      tpu.vector_store %arg8[%swap3A_252, %swap3A_253, %swap3A_254, %swap3A_255], %swap3A_258 {add = true, strides = array<i32>} : memref<2x2x200x64xf32, #tpu.memory_space<vmem>>, vector<1x1x1x16xf32>,
      %mul3A_259 = arith.constant 64 : i32
      %mul3A_260 = arith.muli %scan3A_208, %mul3A_259 : i32
      %add3A_261 = arith.constant 32 : i32
      %add3A_262 = arith.addi %mul3A_260, %add3A_261 : i32
      %get3A_263 = arith.index_cast %add3A_262 : i32 to index
      %get3A_264 = tpu.vector_load %arg6[%get3A_263] {strides = array<i32>} : memref<12800xf32, #tpu.memory_space<vmem>>, vector<16xf32>,
      %get3A_265 = vector.shape_cast %get3A_264 : vector<16xf32> to vector<16xf32>
      %swap3A_266 = arith.constant 1 : i32
      %swap3A_267 = arith.constant 0 : i32
      %swap3A_268 = arith.index_cast %swap3A_266 : i32 to index
      %swap3A_269 = arith.index_cast %swap3A_267 : i32 to index
      %swap3A_270 = arith.index_cast %scan3A_208 : i32 to index
      %swap3A_271 = arith.constant 32 : index
      %swap3A_272 = tpu.vector_load %arg8[%swap3A_268, %swap3A_269, %swap3A_270, %swap3A_271] {strides = array<i32>} : memref<2x2x200x64xf32, #tpu.memory_space<vmem>>, vector<1x1x1x16xf32>,
      %swap3A_273 = vector.shape_cast %swap3A_272 : vector<1x1x1x16xf32> to vector<16xf32>
      %swap3A_274 = vector.shape_cast %get3A_265 : vector<16xf32> to vector<1x1x1x16xf32>
      tpu.vector_store %arg8[%swap3A_268, %swap3A_269, %swap3A_270, %swap3A_271], %swap3A_274 {add = true, strides = array<i32>} : memref<2x2x200x64xf32, #tpu.memory_space<vmem>>, vector<1x1x1x16xf32>,
      %swap3A_275 = arith.constant 1 : i32
      %swap3A_276 = arith.constant 1 : i32
      %swap3A_277 = arith.index_cast %swap3A_275 : i32 to index
      %swap3A_278 = arith.index_cast %swap3A_276 : i32 to index
      %swap3A_279 = arith.index_cast %scan3A_208 : i32 to index
      %swap3A_280 = arith.constant 32 : index
      %swap3A_281 = tpu.vector_load %arg8[%swap3A_277, %swap3A_278, %swap3A_279, %swap3A_280] {strides = array<i32>} : memref<2x2x200x64xf32, #tpu.memory_space<vmem>>, vector<1x1x1x16xf32>,
      %swap3A_282 = vector.shape_cast %swap3A_281 : vector<1x1x1x16xf32> to vector<16xf32>
      %swap3A_283 = vector.shape_cast %get3A_265 : vector<16xf32> to vector<1x1x1x16xf32>
      tpu.vector_store %arg8[%swap3A_277, %swap3A_278, %swap3A_279, %swap3A_280], %swap3A_283 {add = true, strides = array<i32>} : memref<2x2x200x64xf32, #tpu.memory_space<vmem>>, vector<1x1x1x16xf32>,
      %mul3A_284 = arith.constant 64 : i32
      %mul3A_285 = arith.muli %scan3A_208, %mul3A_284 : i32
      %add3A_286 = arith.constant 48 : i32
      %add3A_287 = arith.addi %mul3A_285, %add3A_286 : i32
      %get3A_288 = arith.index_cast %add3A_287 : i32 to index
      %get3A_289 = tpu.vector_load %arg6[%get3A_288] {strides = array<i32>} : memref<12800xf32, #tpu.memory_space<vmem>>, vector<16xf32>,
      %get3A_290 = vector.shape_cast %get3A_289 : vector<16xf32> to vector<16xf32>
      %swap3A_291 = arith.constant 1 : i32
      %swap3A_292 = arith.constant 0 : i32
      %swap3A_293 = arith.index_cast %swap3A_291 : i32 to index
      %swap3A_294 = arith.index_cast %swap3A_292 : i32 to index
      %swap3A_295 = arith.index_cast %scan3A_208 : i32 to index
      %swap3A_296 = arith.constant 48 : index
      %swap3A_297 = tpu.vector_load %arg8[%swap3A_293, %swap3A_294, %swap3A_295, %swap3A_296] {strides = array<i32>} : memref<2x2x200x64xf32, #tpu.memory_space<vmem>>, vector<1x1x1x16xf32>,
      %swap3A_298 = vector.shape_cast %swap3A_297 : vector<1x1x1x16xf32> to vector<16xf32>
      %swap3A_299 = vector.shape_cast %get3A_290 : vector<16xf32> to vector<1x1x1x16xf32>
      tpu.vector_store %arg8[%swap3A_293, %swap3A_294, %swap3A_295, %swap3A_296], %swap3A_299 {add = true, strides = array<i32>} : memref<2x2x200x64xf32, #tpu.memory_space<vmem>>, vector<1x1x1x16xf32>,
      %swap3A_300 = arith.constant 1 : i32
      %swap3A_301 = arith.constant 1 : i32
      %swap3A_302 = arith.index_cast %swap3A_300 : i32 to index
      %swap3A_303 = arith.index_cast %swap3A_301 : i32 to index
      %swap3A_304 = arith.index_cast %scan3A_208 : i32 to index
      %swap3A_305 = arith.constant 48 : index
      %swap3A_306 = tpu.vector_load %arg8[%swap3A_302, %swap3A_303, %swap3A_304, %swap3A_305] {strides = array<i32>} : memref<2x2x200x64xf32, #tpu.memory_space<vmem>>, vector<1x1x1x16xf32>,
      %swap3A_307 = vector.shape_cast %swap3A_306 : vector<1x1x1x16xf32> to vector<16xf32>
      %swap3A_308 = vector.shape_cast %get3A_290 : vector<16xf32> to vector<1x1x1x16xf32>
      tpu.vector_store %arg8[%swap3A_302, %swap3A_303, %swap3A_304, %swap3A_305], %swap3A_308 {add = true, strides = array<i32>} : memref<2x2x200x64xf32, #tpu.memory_space<vmem>>, vector<1x1x1x16xf32>,
      %scan3A_309 = arith.constant 0 : i32
      scf.yield %scan3A_309 : i32
    }
    %scan3A_103 = arith.constant 200 : i32
    %add3A_104 = arith.constant 126 : i32
    %add3A_105 = arith.addi %mul3A_2, %add3A_104 : i32
    %run_scoped3A = arith.constant 1 : i32
    "tpu.region"() ({
      %run_scoped3A_106 = tpu.sem_alloc : memref<!tpu.dma_semaphore, #tpu.memory_space<semaphore_mem>>
      %dma_start3A_107 = arith.constant 0 : i32
      %dma_start3A_108 = arith.constant 0 : i32
      %dma_start3A_109 = arith.constant 0 : i32
      %dma_start3A_110 = tpu.memref_slice %arg8[%run_scoped3A, %dma_start3A_107, %dma_start3A_108, %dma_start3A_109] : memref<2x2x200x64xf32, #tpu.memory_space<vmem>> -> memref<1x2x200x64xf32, #tpu.memory_space<vmem>>
      %dma_start3A_111 = tpu.memref_squeeze %dma_start3A_110 : memref<1x2x200x64xf32, #tpu.memory_space<vmem>> -> memref<2x200x64xf32, #tpu.memory_space<vmem>>
      %dma_start3A_112 = arith.constant 0 : i32
      %dma_start3A_113 = arith.constant 0 : i32
      %dma_start3A_114 = tpu.memref_slice %arg5[%add3A_105, %dma_start3A_112, %dma_start3A_113] : memref<4096x200x128xf32, #tpu.memory_space<hbm>> -> memref<2x200x64xf32, #tpu.memory_space<hbm>>
      %dma_start3A_115 = arith.constant 0 : i32
      %dma_start3A_116 = arith.constant 0 : i32
      %dma_start3A_117 = tpu.memref_slice %arg5[%add3A_105, %dma_start3A_115, %dma_start3A_116] : memref<4096x200x128xf32, #tpu.memory_space<hbm>> -> memref<2x200x64xf32, #tpu.memory_space<hbm>>
      %dma_start3A_118 = arith.constant 0 : i32
      %dma_start3A_119 = arith.constant 0 : i32
      %dma_start3A_120 = arith.constant 0 : i32
      %dma_start3A_121 = tpu.memref_slice %arg8[%run_scoped3A, %dma_start3A_118, %dma_start3A_119, %dma_start3A_120] : memref<2x2x200x64xf32, #tpu.memory_space<vmem>> -> memref<1x2x200x64xf32, #tpu.memory_space<vmem>>
      %dma_start3A_122 = tpu.memref_squeeze %dma_start3A_121 : memref<1x2x200x64xf32, #tpu.memory_space<vmem>> -> memref<2x200x64xf32, #tpu.memory_space<vmem>>
      tpu.enqueue_dma source(%dma_start3A_122 : memref<2x200x64xf32, #tpu.memory_space<vmem>>) target(%dma_start3A_117 : memref<2x200x64xf32, #tpu.memory_space<hbm>>) target_semaphore(%run_scoped3A_106 : memref<!tpu.dma_semaphore, #tpu.memory_space<semaphore_mem>>)
      %dma_wait3A_123 = arith.constant 0 : i32
      %dma_wait3A_124 = arith.constant 0 : i32
      %dma_wait3A_125 = arith.constant 0 : i32
      %dma_wait3A_126 = tpu.memref_slice %arg8[%run_scoped3A, %dma_wait3A_123, %dma_wait3A_124, %dma_wait3A_125] : memref<2x2x200x64xf32, #tpu.memory_space<vmem>> -> memref<1x2x200x64xf32, #tpu.memory_space<vmem>>
      %dma_wait3A_127 = tpu.memref_squeeze %dma_wait3A_126 : memref<1x2x200x64xf32, #tpu.memory_space<vmem>> -> memref<2x200x64xf32, #tpu.memory_space<vmem>>
      %dma_wait3A_128 = arith.constant 0 : i32
      %dma_wait3A_129 = arith.constant 0 : i32
      %dma_wait3A_130 = tpu.memref_slice %arg5[%add3A_105, %dma_wait3A_128, %dma_wait3A_129] : memref<4096x200x128xf32, #tpu.memory_space<hbm>> -> memref<2x200x64xf32, #tpu.memory_space<hbm>>
      %dma_wait3A_131 = arith.constant 0 : i32
      %dma_wait3A_132 = arith.constant 0 : i32
      %dma_wait3A_133 = tpu.memref_slice %arg5[%add3A_105, %dma_wait3A_131, %dma_wait3A_132] : memref<4096x200x128xf32, #tpu.memory_space<hbm>> -> memref<2x200x64xf32, #tpu.memory_space<hbm>>
      %dma_wait3A_134 = arith.constant 0 : i32
      %dma_wait3A_135 = arith.constant 0 : i32
      %dma_wait3A_136 = arith.constant 0 : i32
      %dma_wait3A_137 = tpu.memref_slice %arg8[%run_scoped3A, %dma_wait3A_134, %dma_wait3A_135, %dma_wait3A_136] : memref<2x2x200x64xf32, #tpu.memory_space<vmem>> -> memref<1x2x200x64xf32, #tpu.memory_space<vmem>>
      %dma_wait3A_138 = tpu.memref_squeeze %dma_wait3A_137 : memref<1x2x200x64xf32, #tpu.memory_space<vmem>> -> memref<2x200x64xf32, #tpu.memory_space<vmem>>
      tpu.wait_dma2 semaphore(%run_scoped3A_106 : memref<!tpu.dma_semaphore, #tpu.memory_space<semaphore_mem>>) src(%dma_wait3A_138 : memref<2x200x64xf32, #tpu.memory_space<vmem>>) dst(%dma_wait3A_133 : memref<2x200x64xf32, #tpu.memory_space<hbm>>)
      tpu.yield
    }) : () -> ()
    return
  }
}

</mosaic_0001>

<sc_bundles>
// kernel: kernel.3.cloned.1.call-start
scs
__scs_entry_jumppad:
0x0: {  	(pc) =	sbr.rel $0x88, $3  }
0x1: {  	(tag) =	ssettag $0x0;
	lr =	simm.s32 $0x1  }
0x2: {  	[smem:$0x3F9E] =	sst lr;
	_ =	strace $0xD0000000  }
0x3: {  	_ = 	snop  }
0x4: {  	_ = 	snop  }
0x5: {  	_ = 	snop  }
0x6: {  	_ = 	snop  }
0x7: {  	_ = 	snop  }
__scs_overlays_trampoline_lowered:
0x8: {  	[smem:$0x3FAD] =	sst s0  }
0x9: {  	[smem:$0x3FAE] =	sst s1  }
0xa: {  	[smem:$0x3FAF] =	sst s2  }
0xb: {  	[smem:$0x3FB0] =	sst s3  }
0xc: {  	[smem:$0x3FB1] =	sst s4  }
0xd: {  	[smem:$0x3FB2] =	sst s5  }
0xe: {  	[smem:$0x3FB3] =	sst s6  }
0xf: {  	[smem:$0x3FB4] =	sst s7  }
0x10: {  	[smem:$0x3FB5] =	sst s8  }
0x11: {  	[smem:$0x3FB6] =	sst s9;
	s0 =	simm.s32 @!p0 $0x0  }
0x12: {  	s1 =	sld [smem:$0x3F9C];
	s0 =	simm.s32 @p0 $0x1  }
0x13: {  	[smem:$0x3FB7] =	sst s0;
	s0 =	simm.s32 @!p1 $0x0  }
0x14: {  	s2 =	sld [smem:$0x3F9B];
	s0 =	simm.s32 @p1 $0x1  }
0x15: {  	[smem:$0x3FB8] =	sst s0;
	s0 =	simm.s32 @!p2 $0x0  }
0x16: {  	s3 =	sld [smem:$0x3FDB];
	s0 =	simm.s32 @p2 $0x1  }
0x17: {  	s4 =	simm.s32 $0x1BF5;
	[smem:$0x3FBA] =	sst s0  }
0x18: {  	s0 =	sld [smem:$0x3F9D];
	_ =	swait.ge [sflag:s4], $0x0  }
0x19: {  	s7 =	sld [smem:$0x3F9E]  }
0x1a: {  	s8 =	sadd.s32 $0xFFFFE003, lr  }
0x1b: {  	s9 =	sadd.s32 $0xFFFFFEF7, lr;
	s5 =	simm.s32 $0xFFFFFFFF;
	p2 =	slt.u32 s8, $0xFFFFF086  }
0x1c: {  	p1 =	slt.u32 s9, $0xF7A;
	s5 =	simm.s32 @!p2 $0x0  }
0x1d: {  	s5 =	simm.s32 @p1 $0x1;
	p0 =	seq.s32 s7, s2  }
0x1e: {  	s7 =	smul.u32 @!p0 $0xF7A, s2;
	p2 =	seq.s32 @!p0 s5, $0x0  }
0x1f: {  	s9 =	smul.u32 $0xF7A, s1;
	s8 =	simm.s32 @!p0 $0x1BF5;
	p2 =	por !p2, p0  }
0x20: {  	[sflag:s8] =	ssyncset.s32 @!p0 $0xFFFFF086;
	s6 =	sadd.s32 @!p0 s3, s7;
	s7 =	simm.s32 @!p0 $0x108  }
0x21: {  	s3 =	sadd.s32 s3, s9;
	s6 =	sadd.s32 @!p0 $0x88, s6;
	s7 =	simm.s32 @p2 $0x1082  }
0x22: {  	[simem:s7], [sflag:s8] =	dma.local @!p0 [hbm:s6], $0xF7A  }
0x23: {  	s9 =	sor.u32 $0xD0000000, s2;
	s6 =	simm.s32 $0x108;
	_ =	swait.ge @!p0 [sflag:s8], $0x0  }
0x24: {  	s3 =	sadd.s32 $0x88, s3;
	s6 =	simm.s32 @!p1 $0x1082;
	[sflag:s4] =	ssyncset.s32 $0xFFFFF086  }
0x25: {  	[simem:s6], [sflag:s4] =	dma.local [hbm:s3], $0xF7A  }
0x26: {  	[smem:$0x3F9E] =	sst s1;
	(tag) =	ssettag s2;
	_ =	strace s9  }
0x27: {  	s1 =	sld [smem:$0x3FAE]  }
0x28: {  	s2 =	sld [smem:$0x3FAF]  }
0x29: {  	s4 =	sld [smem:$0x3FB1]  }
0x2a: {  	p0 =	seq.s32 s5, $0x0;
	s5 =	sld [smem:$0x3FB2]  }
0x2b: {  	s6 =	sld [smem:$0x3FB3]  }
0x2c: {  	s7 =	sld [smem:$0x3FB4]  }
0x2d: {  	s3 =	simm.s32 $0x108;
	s8 =	sld [smem:$0x3FB5]  }
0x2e: {  	s3 =	simm.s32 @!p0 $0x1082;
	s9 =	sld [smem:$0x3FB6]  }
0x2f: {  	lr =	sadd.s32 s0, s3;
	s0 =	sld [smem:$0x3FAD]  }
0x30: {  	s3 =	sld [smem:$0x3FB0]  }
0x31: {  	[smem:$0x3FB9] =	sst s10  }
0x32: {  	s10 =	sld [smem:$0x3FB7];
	_ =	sdelay $0x3  }
0x33: {  	p0 =	seq.s32 s10, $0x1;
	s10 =	sld [smem:$0x3FB9];
	_ =	sdelay $0x3  }
0x34: {  	[smem:$0x3FB9] =	sst s10  }
0x35: {  	s10 =	sld [smem:$0x3FB8];
	_ =	sdelay $0x3  }
0x36: {  	p1 =	seq.s32 s10, $0x1;
	s10 =	sld [smem:$0x3FB9];
	_ =	sdelay $0x3  }
0x37: {  	[smem:$0x3FB9] =	sst s10  }
0x38: {  	s10 =	sld [smem:$0x3FBA]  }
0x39: {  	_ = 	snop;
	(pc) =	sbr.ind lr, $3  }
0x3a: {  	_ = 	snop  }
0x3b: {  	_ = 	snop  }
0x3c: {  	p2 =	seq.s32 s10, $0x1;
	s10 =	sld [smem:$0x3FB9]  }
0x3d: {  	_ =	shalt  }
0x3e: {  	_ =	shalt  }
0x3f: {  	_ =	shalt  }
0x40: {  	_ =	shalt  }
0x41: {  	_ =	shalt  }
0x42: {  	_ =	shalt  }
0x43: {  	_ =	shalt  }
0x44: {  	_ =	shalt  }
0x45: {  	_ =	shalt  }
0x46: {  	_ =	shalt  }
0x47: {  	_ =	shalt  }
0x48: {  	_ =	shalt  }
0x49: {  	_ =	shalt  }
0x4a: {  	_ =	shalt  }
0x4b: {  	_ =	shalt  }
0x4c: {  	_ =	shalt  }
0x4d: {  	_ =	shalt  }
0x4e: {  	_ =	shalt  }
0x4f: {  	_ =	shalt  }
0x50: {  	_ =	shalt  }
0x51: {  	_ =	shalt  }
0x52: {  	_ =	shalt  }
0x53: {  	_ =	shalt  }
0x54: {  	_ =	shalt  }
0x55: {  	_ =	shalt  }
0x56: {  	_ =	shalt  }
0x57: {  	_ =	shalt  }
0x58: {  	_ =	shalt  }
0x59: {  	_ =	shalt  }
0x5a: {  	_ =	shalt  }
0x5b: {  	_ =	shalt  }
0x5c: {  	_ =	shalt  }
0x5d: {  	_ =	shalt  }
0x5e: {  	_ =	shalt  }
0x5f: {  	_ =	shalt  }
0x60: {  	_ =	shalt  }
0x61: {  	_ =	shalt  }
0x62: {  	_ =	shalt  }
0x63: {  	_ =	shalt  }
0x64: {  	_ =	shalt  }
0x65: {  	_ =	shalt  }
0x66: {  	_ =	shalt  }
0x67: {  	_ =	shalt  }
0x68: {  	_ =	shalt  }
0x69: {  	_ =	shalt  }
0x6a: {  	_ =	shalt  }
0x6b: {  	_ =	shalt  }
0x6c: {  	_ =	shalt  }
0x6d: {  	_ =	shalt  }
0x6e: {  	_ =	shalt  }
0x6f: {  	_ =	shalt  }
0x70: {  	_ =	shalt  }
0x71: {  	_ =	shalt  }
0x72: {  	_ =	shalt  }
0x73: {  	_ =	shalt  }
0x74: {  	_ =	shalt  }
0x75: {  	_ =	shalt  }
0x76: {  	_ =	shalt  }
0x77: {  	_ =	shalt  }
0x78: {  	_ =	shalt  }
0x79: {  	_ =	shalt  }
0x7a: {  	_ =	shalt  }
0x7b: {  	_ =	shalt  }
0x7c: {  	_ =	shalt  }
0x7d: {  	_ =	shalt  }
0x7e: {  	_ =	shalt  }
0x7f: {  	_ =	shalt  }
0x80: {  	_ =	shalt  }
0x81: {  	_ =	shalt  }
0x82: {  	_ =	shalt  }
0x83: {  	_ =	shalt  }
0x84: {  	_ =	shalt  }
0x85: {  	_ =	shalt  }
0x86: {  	_ =	shalt  }
0x87: {  	_ =	shalt  }
.Lfunc_end0:
.L_simem_size_0:
called_computation.1_lowered:
.L_overlay_start_0:
0x88: {  	s2 =	sld [smem:$0x3FD9]  }
0x89: {  	s3 =	sld [smem:$0x3FFE];
	_ =	sdelay $0x1  }
0x8a: {  	s1 =	srdreg.scid  }
0x8b: {  	s0 =	sand.u32 $0x1, s1  }
0x8c: {  	s16 =	sshll.u32 s0, $0xA;
	s2 =	sadd.s32 s3, s2  }
0x8d: {  	s2 =	sadd.s32 s2, s16  }
0x8e: {  	[smem:$0x3FC5] =	sst s2  }
0x8f: {  	_ = 	snop  }
0x90: {  	(tm) =	ssettm $0x1  }
0x91: {  	s17 =	sld [smem:$0x3FFB];
	_ =	sdelay $0x3  }
0x92: {  	_ =	strace s17  }
0x93: {  	s2 =	sld [smem:$0x3FFC];
	_ =	sdelay $0x3  }
0x94: {  	_ =	strace s2  }
0x95: {  	s2 =	sld [smem:$0x3FFD];
	_ =	sdelay $0x3  }
0x96: {  	_ =	strace s2  }
0x97: {  	_ =	strace $0x8FFFFFFF  }
0x98: {  	s18 =	sld [smem:$0x3FDB];
	_ =	sdelay $0x1  }
0x99: {  	s19 =	simm.s32 $_scs_section_size  }
0x9a: {  	s4 =	simm.s32 $_size__tile_overlayer_lowered;
	s5 =	simm.s32 $_tile_overlayer_lowered  }
0x9b: {  	s22 =	simm.s32 $0x1BFF;
	s21 =	sshll.u32 s5, $0x1;
	s2 =	sadd.s32 s19, s18  }
0x9c: {  	s6 =	simm.s32 $0x0;
	s20 =	sshll.u32 s4, $0x1;
	s4 =	sadd.s32 s21, s2  }
0x9d: {  	[timem:s6], [sflag:s22] =	dma.local [hbm:s4], s20  }
0x9e: {  	_ =	swait.ge [sflag:s22], s20  }
0x9f: {  	s3 =	ssub.s32 $0x0, s20;
	[sflag:s22] =	ssyncset.done $0x0  }
0xa0: {  	[sflag:s22] =	ssyncadd.s32 s3;
	_ =	sdelay $0x1  }
0xa1: {  	s23 =	simm.s32 $0x1B8B  }
0xa2: {  	_ =	swait.ge [sflag:s23], $0x1  }
0xa3: {  	[sflag:s23] =	ssyncset.done $0x0  }
0xa4: {  	s25 =	simm.s32 $0x1B8E;
	s24 =	sld [smem:$0x3FFE];
	[sflag:s23] =	ssyncadd.s32 $0xFFFFFFFF  }
0xa5: {  	s26 =	simm.s32 $execute0_lowered;
	[smem:$0x3FD2] =	sst s25  }
0xa6: {  	s4 =	sshll.u32 s26, $0x1;
	_ =	strace $0x80000046;
	[dreg:$0x1] =	wrdreg $0xFFFFFFFF  }
0xa7: {  	s28 =	simm.s32 $_size_execute0_lowered;
	s2 =	sadd.s32 s2, s4;
	[dreg:$0x0] =	wrdreg $0x0  }
0xa8: {  	s4 =	sshll.u32 s28, $0x1;
	[dreg:$0x2] =	wrdreg s2  }
0xa9: {  	[dreg:$0x3] =	wrdreg s4  }
0xaa: {  	[dreg:$0x4] =	wrdreg $0xC0  }
0xab: {  	_ =	task [dreg:s6], $0x5FFFF  }
0xac: {  	[dreg:$0x1] =	wrdreg $0xFFFFFFFF  }
0xad: {  	[dreg:$0x0] =	wrdreg $0x60  }
0xae: {  	[dreg:$0x2] =	wrdreg s24  }
0xaf: {  	[dreg:$0x3] =	wrdreg $0x9  }
0xb0: {  	_ =	task.clear_ibuf [dreg:s6], $0x4FFFF;
	_ =	strace $0x90000046  }
0xb1: {  	s29 =	simm.s32 $0x9;
	_ =	strace $0x80000048  }
0xb2: {  	_ =	swait.ge [sflag:s29], $0x1  }
0xb3: {  	[sflag:s29] =	ssyncadd.s32 $0xFFFFFFFF  }
0xb4: {  	_ =	strace $0x90000048  }
0xb5: {  	_ =	sfence  }
0xb6: {  	s30 =	sld [smem:$0x0];
	_ =	sdelay $0x2  }
0xb7: {  	s31 =	sshll.u32 s1, $0xD;
	s1 =	sshrl.u32 s1, $0x2  }
0xb8: {  	s3 =	sand.u32 $0x4000, s31;
	s1 =	sadd.s32 s1, s30  }
0xb9: {  	s0 =	sor.u32 s3, s0;
	s1 =	sshll.u32 s1, $0x11  }
0xba: {  	s0 =	sor.u32 s1, s0  }
0xbb: {  	s0 =	sadd.s32 $0x8F2B, s0  }
0xbc: {  	[sflag:s0] =	ssyncadd.remote.s32 $0x1  }
0xbd: {  	_ =	sfence.sel $0xFFFF  }
0xbe: {  	[dreg:$0x0] =	wrdreg $0xFFFFFFFF;
	(pc) =	sbr.abs _section_cstart, $3  }
0xbf: {  	[dreg:$0x1] =	wrdreg $0xFFFFFFFF  }
0xc0: {  	_ =	task.clear_ibuf [dreg:s6], $0x2FFFF;
	_ =	strace $0x9FFFFFFF  }
0xc1: {  	(tm) =	ssettm $0x7FFFFFFF  }
tec
execute0_lowered:
.L_overlay_start_1:
0x0: {  	(tag) =	ssettag $0x1  }
0x1: {  	s0 =	srdreg.scid  }
0x2: {  	s2 =	stileid.u32;
	s1 =	rddreg [dreg:$0x0]  }
0x3: {  	s10 =	simm.s32 $0x3200;
	s11 =	simm.s32 $0x3;
	s12 =	simm.s32 $0x68  }
0x4: {  	s13 =	simm.s32 $0x9600;
	s14 =	simm.s32 $0x60;
	s16 =	simm.s32 $0xB000  }
0x5: {  	s18 =	simm.s32 $0xC800;
	s19 =	simm.s32 $0x3330;
	s20 =	simm.s32 $0xE200  }
0x6: {  	s21 =	simm.s32 $0xFA00;
	s22 =	simm.s32 $0x11400;
	s23 =	simm.s32 $0x12C00  }
0x7: {  	s24 =	simm.s32 $0x14600;
	s25 =	simm.s32 $0x1;
	s26 =	simm.s32 $0x40  }
0x8: {  	s28 =	simm.s32 $0x80;
	s0 =	sand.u32 $0x1, s0;
	s3 =	sshll.u32 s2, $0x1  }
0x9: {  	s29 =	simm.s32 $0x2;
	s30 =	simm.s32 $0x0;
	s6 =	sor.u32 s0, s3  }
0xa: {  	s2 =	simm.s32 $0x0;
	s4 =	sadd.s32 $0xDD600, s1;
	s3 =	smul.u32 $0xC80, s6  }
0xb: {  	[smem:$0x7FF] =	sst s2;
	s0 =	ssub.s32 $0x2, s0;
	s5 =	smul.u32 $0x320000, s6  }
0xc: {  	_ =	strace $0x80000047;
	s8 =	sshrl.u32 s0, $0x1;
	s6 =	sshll.u32 s6, $0x7  }
0xd: {  	s0 =	ssub.s32 s0, s8;
	s7 =	sadd.s32 s3, s1;
	s9 =	sshrl.u32 s5, $0x3  }
0xe: {  	s3 =	sadd.s32 $0x1A000, s1;
	s5 =	sadd.s32 $0x800, s1;
	s31 =	sadd.s32 s4, s9  }
0xf: {  	s7 =	sadd.s32 $0x1000, s7;
	s9 =	smax.u32 s0, $0x1;
	s8 =	sadd.s32 $0x62700, s31  }
.LBB2_1:
0x10: {  	[tilespmem:s10], [sflag:$0x3] =	stream.linear.gather [hbm4b:s7+s2], $0x6400, $0x38;
	[tilespmem:$0x15E00] =	vst v63  }
0x11: {  	_ =	swait.ge [sflag:s11], $0x6400  }
0x12: {  	[sflag:s11] =	ssyncset.done $0x0  }
0x13: {  	[sflag:s11] =	ssyncadd.s32 $0xFFFF9C00  }
0x14: {  	[tilespmem:s2], [sflag:$0x3] =	stream.linear.gather [hbm4b:s5+s2], $0x3200, $0x38;
	[tilespmem:$0x15E00] =	vst v63  }
0x15: {  	_ =	swait.ge [sflag:s11], $0x3200  }
0x16: {  	[sflag:s11] =	ssyncset.done $0x0  }
0x17: {  	[sflag:s11] =	ssyncadd.s32 $0xFFFFCE00  }
0x18: {  	[tilespmem:s13], [sflag:$0x1] =	stream.indirect.gather [hbm4b:s3+s12], $0x40, s10, s12, $0xb8;
	[tilespmem:$0x15E00] =	vst v63  }
0x19: {  	s0 =	simm.s32 $0x3268  }
0x1a: {  	[tilespmem:s16], [sflag:$0x1] =	stream.indirect.gather [hbm4b:s3+s14], $0x40, s0, s14, $0xb8;
	[tilespmem:$0x15E00] =	vst v63  }
.Ltmp0:
0x1b: {  	_ = 	snop;
	(pc) =	sbr.rel .LBB2_2-.Ltmp0, $4  }
0x1c: {  	s17 =	simm.s32 $0x32C8  }
0x1d: {  	[tilespmem:s18], [sflag:$0x1] =	stream.indirect.gather [hbm4b:s3+s12], $0x40, s17, s12, $0xb8;
	[tilespmem:$0x15E00] =	vst v63  }
0x1e: {  	s31 =	simm.s32 $0x0  }
0x1f: {  	[tilespmem:s20], [sflag:$0x1] =	stream.indirect.gather [hbm4b:s3+s14], $0x40, s19, s14, $0xb8;
	[tilespmem:$0x15E00] =	vst v63  }
.LBB2_8:
0x20: {  	s0 =	sshll.u32 s31, $0x1  }
0x21: {  	s0 =	sadd.s32 s6, s0  }
0x22: {  	s0 =	smul.u32 $0xC80, s0;
	_ =	sdelay $0x1  }
0x23: {  	[tilespmem:s1+$0xFA70] =	vst.add.f32.msk $0xffff, v0;
	s0 =	sadd.s32 s4, s0  }
0x24: {  	[hbm4b:s0+s26] =	stream.strided.scatter [tilespmem:s21], [sflag:$0x3], $0x6400, s28, s26, $0x38;
	[tilespmem:$0x15E00] =	vst v63  }
0x25: {  	s0 =	simm.s32 $0x3  }
.LBB2_9:
0x26: {  	s31 =	sadd.s32 $0x1, s31  }
0x27: {  	p0 =	sne.s32 s31, $0x3F  }
.Ltmp1:
0x28: {  	_ = 	snop;
	(pc) =	sbr.rel @!p0 .LBB2_10-.Ltmp1, $4  }
0x29: {  	_ = 	snop  }
0x2a: {  	_ =	swait.ge [sflag:s0], $0x6400  }
0x2b: {  	[sflag:s0] =	ssyncset.done $0x0  }
0x2c: {  	[sflag:s0] =	ssyncadd.s32 $0xFFFF9C00  }
.LBB2_2:
0x2d: {  	s1 =	sand.u32 $0x1, s31  }
0x2e: {  	s0 =	smul.u32 $0x640, s31;
	p0 =	seq.s32 s1, $0x1  }
.Ltmp2:
0x2f: {  	_ = 	snop;
	(pc) =	sbr.rel @p0 .LBB2_6-.Ltmp2, $4  }
0x30: {  	_ = 	snop  }
0x31: {  	s0 =	sshra.s32 s0, $0x2  }
0x32: {  	s17 =	sadd.s32 $0x3390, s0  }
0x33: {  	s15 =	sadd.s32 $0x33F8, s0;
	s1 =	sadd.s32 $0x3458, s0;
	s0 =	sadd.s32 $0x34C0, s0  }
0x34: {  	[tilespmem:s21], [sflag:$0x2] =	stream.indirect.gather [hbm4b:s3+s12], $0x40, s17, s12, $0xb8;
	[tilespmem:$0x15E00] =	vst v63  }
0x35: {  	_ = 	snop  }
0x36: {  	[tilespmem:s22], [sflag:$0x2] =	stream.indirect.gather [hbm4b:s3+s14], $0x40, s15, s14, $0xb8;
	[tilespmem:$0x15E00] =	vst v63  }
0x37: {  	_ = 	snop  }
0x38: {  	[tilespmem:s23], [sflag:$0x2] =	stream.indirect.gather [hbm4b:s3+s12], $0x40, s1, s12, $0xb8;
	[tilespmem:$0x15E00] =	vst v63  }
0x39: {  	_ = 	snop  }
0x3a: {  	[tilespmem:s24], [sflag:$0x2] =	stream.indirect.gather [hbm4b:s3+s14], $0x40, s0, s14, $0xb8;
	[tilespmem:$0x15E00] =	vst v63  }
0x3b: {  	_ =	swait.ge [sflag:s25], $0x1A00  }
0x3c: {  	[sflag:s25] =	ssyncset.done $0x0  }
0x3d: {  	[sflag:s25] =	ssyncadd.s32 $0xFFFFE600  }
0x3e: {  	_ =	swait.ge [sflag:s25], $0x1800  }
0x3f: {  	[sflag:s25] =	ssyncset.done $0x0  }
0x40: {  	[sflag:s25] =	ssyncadd.s32 $0xFFFFE800  }
0x41: {  	_ =	swait.ge [sflag:s25], $0x1A00  }
0x42: {  	[sflag:s25] =	ssyncset.done $0x0  }
0x43: {  	[sflag:s25] =	ssyncadd.s32 $0xFFFFE600  }
0x44: {  	_ =	swait.ge [sflag:s25], $0x1800  }
0x45: {  	[sflag:s25] =	ssyncset.done $0x0  }
0x46: {  	s1 =	simm.s32 $0x0;
	[sflag:s25] =	ssyncadd.s32 $0xFFFFE800  }
0x47: {  	v0 =	vld [tilespmem:s1+$0x70]  }
0x48: {  	v1 =	vld [tilespmem:s1+$0x0]  }
0x49: {  	v2 =	vld [tilespmem:s1+$0x10]  }
0x4a: {  	v3 =	vld [tilespmem:s1+$0x20]  }
0x4b: {  	v4 =	vld [tilespmem:s1+$0x30]  }
0x4c: {  	v5 =	vld [tilespmem:s1+$0x40]  }
0x4d: {  	v6 =	vld [tilespmem:s1+$0x50]  }
0x4e: {  	v7 =	vld [tilespmem:s1+$0x60]  }
0x4f: {  	[tilespmem:s1+$0xC870] =	vst.add.f32.msk $0xffff, v0  }
0x50: {  	[tilespmem:s1+$0x9600] =	vst.add.f32.msk $0xffff, v1  }
0x51: {  	[tilespmem:s1+$0xC800] =	vst.add.f32.msk $0xffff, v1  }
0x52: {  	[tilespmem:s1+$0x9610] =	vst.add.f32.msk $0xffff, v2  }
0x53: {  	[tilespmem:s1+$0xC810] =	vst.add.f32.msk $0xffff, v2  }
0x54: {  	[tilespmem:s1+$0x9620] =	vst.add.f32.msk $0xffff, v3  }
0x55: {  	[tilespmem:s1+$0xC820] =	vst.add.f32.msk $0xffff, v3  }
0x56: {  	[tilespmem:s1+$0x9630] =	vst.add.f32.msk $0xffff, v4  }
0x57: {  	[tilespmem:s1+$0xC830] =	vst.add.f32.msk $0xffff, v4  }
0x58: {  	[tilespmem:s1+$0x9640] =	vst.add.f32.msk $0xffff, v5  }
0x59: {  	[tilespmem:s1+$0xC840] =	vst.add.f32.msk $0xffff, v5  }
0x5a: {  	[tilespmem:s1+$0x9650] =	vst.add.f32.msk $0xffff, v6  }
0x5b: {  	[tilespmem:s1+$0xC850] =	vst.add.f32.msk $0xffff, v6  }
0x5c: {  	[tilespmem:s1+$0x9660] =	vst.add.f32.msk $0xffff, v7  }
0x5d: {  	s15 =	simm.s32 $0x200;
	s0 =	simm.s32 $0x0;
	[tilespmem:s1+$0xC860] =	vst.add.f32.msk $0xffff, v7  }
.LBB2_4:
0x5e: {  	s0 =	sadd.s32 $0x2, s0;
	[tilespmem:s1+$0x9670] =	vst.add.f32.msk $0xffff, v0;
	s1 =	sshra.s32 s15, $0x2  }
0x5f: {  	v0 =	vld [tilespmem:s1+$0x70];
	p0 =	slt.u32 s0, $0xC6  }
0x60: {  	v1 =	vld [tilespmem:s1+$0x0]  }
0x61: {  	v2 =	vld [tilespmem:s1+$0x10]  }
0x62: {  	v3 =	vld [tilespmem:s1+$0x20]  }
0x63: {  	v4 =	vld [tilespmem:s1+$0x30]  }
0x64: {  	[tilespmem:s1+$0xC870] =	vst.add.f32.msk $0xffff, v0  }
0x65: {  	v5 =	vld [tilespmem:s1+$0x40]  }
0x66: {  	v6 =	vld [tilespmem:s1+$0x50]  }
0x67: {  	v7 =	vld [tilespmem:s1+$0x60]  }
0x68: {  	[tilespmem:s1+$0x9600] =	vst.add.f32.msk $0xffff, v1  }
0x69: {  	[tilespmem:s1+$0xC800] =	vst.add.f32.msk $0xffff, v1  }
0x6a: {  	[tilespmem:s1+$0x9610] =	vst.add.f32.msk $0xffff, v2  }
0x6b: {  	[tilespmem:s1+$0xC810] =	vst.add.f32.msk $0xffff, v2  }
0x6c: {  	[tilespmem:s1+$0x9620] =	vst.add.f32.msk $0xffff, v3  }
0x6d: {  	[tilespmem:s1+$0xC820] =	vst.add.f32.msk $0xffff, v3  }
0x6e: {  	[tilespmem:s1+$0x9630] =	vst.add.f32.msk $0xffff, v4  }
0x6f: {  	[tilespmem:s1+$0xC830] =	vst.add.f32.msk $0xffff, v4  }
0x70: {  	[tilespmem:s1+$0x9640] =	vst.add.f32.msk $0xffff, v5  }
.Ltmp3:
0x71: {  	[tilespmem:s1+$0xC840] =	vst.add.f32.msk $0xffff, v5;
	(pc) =	sbr.rel @p0 .LBB2_4-.Ltmp3, $4  }
0x72: {  	[tilespmem:s1+$0x9650] =	vst.add.f32.msk $0xffff, v6  }
0x73: {  	[tilespmem:s1+$0xC850] =	vst.add.f32.msk $0xffff, v6  }
0x74: {  	[tilespmem:s1+$0x9660] =	vst.add.f32.msk $0xffff, v7  }
0x75: {  	s15 =	sadd.s32 $0x200, s15;
	[tilespmem:s1+$0xC860] =	vst.add.f32.msk $0xffff, v7  }
0x76: {  	s0 =	sshll.u32 s31, $0x1  }
0x77: {  	s0 =	sadd.s32 s6, s0  }
0x78: {  	s0 =	smul.u32 $0xC80, s0  }
.Ltmp4:
0x79: {  	_ = 	snop;
	(pc) =	sbr.rel .LBB2_9-.Ltmp4, $4  }
0x7a: {  	_ = 	snop  }
0x7b: {  	[tilespmem:s1+$0x9670] =	vst.add.f32.msk $0xffff, v0;
	s0 =	sadd.s32 s4, s0  }
0x7c: {  	[hbm4b:s0+s26] =	stream.strided.scatter [tilespmem:s13], [sflag:$0x4], $0x6400, s28, s26, $0x38;
	[tilespmem:$0x15E00] =	vst v63  }
0x7d: {  	s0 =	simm.s32 $0x4  }
.LBB2_6:
0x7e: {  	[tilespmem:s13], [sflag:$0x1] =	stream.indirect.gather [hbm4b:s3+s12], $0x40, s17, s12, $0xb8;
	[tilespmem:$0x15E00] =	vst v63  }
0x7f: {  	_ = 	snop  }
0x80: {  	[tilespmem:s16], [sflag:$0x1] =	stream.indirect.gather [hbm4b:s3+s14], $0x40, s15, s14, $0xb8;
	[tilespmem:$0x15E00] =	vst v63  }
0x81: {  	_ = 	snop  }
0x82: {  	[tilespmem:s18], [sflag:$0x1] =	stream.indirect.gather [hbm4b:s3+s12], $0x40, s1, s12, $0xb8;
	[tilespmem:$0x15E00] =	vst v63  }
0x83: {  	_ = 	snop  }
0x84: {  	[tilespmem:s20], [sflag:$0x1] =	stream.indirect.gather [hbm4b:s3+s14], $0x40, s0, s14, $0xb8;
	[tilespmem:$0x15E00] =	vst v63  }
0x85: {  	_ =	swait.ge [sflag:s29], $0x1A00  }
0x86: {  	[sflag:s29] =	ssyncset.done $0x0  }
0x87: {  	[sflag:s29] =	ssyncadd.s32 $0xFFFFE600  }
0x88: {  	_ =	swait.ge [sflag:s29], $0x1800  }
0x89: {  	[sflag:s29] =	ssyncset.done $0x0  }
0x8a: {  	[sflag:s29] =	ssyncadd.s32 $0xFFFFE800  }
0x8b: {  	_ =	swait.ge [sflag:s29], $0x1A00  }
0x8c: {  	[sflag:s29] =	ssyncset.done $0x0  }
0x8d: {  	[sflag:s29] =	ssyncadd.s32 $0xFFFFE600  }
0x8e: {  	_ =	swait.ge [sflag:s29], $0x1800  }
0x8f: {  	[sflag:s29] =	ssyncset.done $0x0  }
0x90: {  	s1 =	simm.s32 $0x0;
	[sflag:s29] =	ssyncadd.s32 $0xFFFFE800  }
0x91: {  	v0 =	vld [tilespmem:s1+$0x70]  }
0x92: {  	v1 =	vld [tilespmem:s1+$0x0]  }
0x93: {  	v2 =	vld [tilespmem:s1+$0x10]  }
0x94: {  	v3 =	vld [tilespmem:s1+$0x20]  }
0x95: {  	v4 =	vld [tilespmem:s1+$0x30]  }
0x96: {  	v5 =	vld [tilespmem:s1+$0x40]  }
0x97: {  	v6 =	vld [tilespmem:s1+$0x50]  }
0x98: {  	v7 =	vld [tilespmem:s1+$0x60]  }
0x99: {  	[tilespmem:s1+$0x12C70] =	vst.add.f32.msk $0xffff, v0  }
0x9a: {  	[tilespmem:s1+$0xFA00] =	vst.add.f32.msk $0xffff, v1  }
0x9b: {  	[tilespmem:s1+$0x12C00] =	vst.add.f32.msk $0xffff, v1  }
0x9c: {  	[tilespmem:s1+$0xFA10] =	vst.add.f32.msk $0xffff, v2  }
0x9d: {  	[tilespmem:s1+$0x12C10] =	vst.add.f32.msk $0xffff, v2  }
0x9e: {  	[tilespmem:s1+$0xFA20] =	vst.add.f32.msk $0xffff, v3  }
0x9f: {  	[tilespmem:s1+$0x12C20] =	vst.add.f32.msk $0xffff, v3  }
0xa0: {  	[tilespmem:s1+$0xFA30] =	vst.add.f32.msk $0xffff, v4  }
0xa1: {  	[tilespmem:s1+$0x12C30] =	vst.add.f32.msk $0xffff, v4  }
0xa2: {  	[tilespmem:s1+$0xFA40] =	vst.add.f32.msk $0xffff, v5  }
0xa3: {  	[tilespmem:s1+$0x12C40] =	vst.add.f32.msk $0xffff, v5  }
0xa4: {  	[tilespmem:s1+$0xFA50] =	vst.add.f32.msk $0xffff, v6  }
0xa5: {  	[tilespmem:s1+$0x12C50] =	vst.add.f32.msk $0xffff, v6  }
0xa6: {  	[tilespmem:s1+$0xFA60] =	vst.add.f32.msk $0xffff, v7  }
0xa7: {  	s15 =	simm.s32 $0x200;
	s0 =	simm.s32 $0x0;
	[tilespmem:s1+$0x12C60] =	vst.add.f32.msk $0xffff, v7  }
.LBB2_7:
0xa8: {  	s0 =	sadd.s32 $0x2, s0;
	[tilespmem:s1+$0xFA70] =	vst.add.f32.msk $0xffff, v0;
	s1 =	sshra.s32 s15, $0x2  }
0xa9: {  	v0 =	vld [tilespmem:s1+$0x70];
	p0 =	slt.u32 s0, $0xC6  }
0xaa: {  	v1 =	vld [tilespmem:s1+$0x0]  }
0xab: {  	v2 =	vld [tilespmem:s1+$0x10]  }
0xac: {  	v3 =	vld [tilespmem:s1+$0x20]  }
0xad: {  	v4 =	vld [tilespmem:s1+$0x30]  }
0xae: {  	[tilespmem:s1+$0x12C70] =	vst.add.f32.msk $0xffff, v0  }
0xaf: {  	v5 =	vld [tilespmem:s1+$0x40]  }
0xb0: {  	v6 =	vld [tilespmem:s1+$0x50]  }
0xb1: {  	v7 =	vld [tilespmem:s1+$0x60]  }
0xb2: {  	[tilespmem:s1+$0xFA00] =	vst.add.f32.msk $0xffff, v1  }
0xb3: {  	[tilespmem:s1+$0x12C00] =	vst.add.f32.msk $0xffff, v1  }
0xb4: {  	[tilespmem:s1+$0xFA10] =	vst.add.f32.msk $0xffff, v2  }
0xb5: {  	[tilespmem:s1+$0x12C10] =	vst.add.f32.msk $0xffff, v2  }
0xb6: {  	[tilespmem:s1+$0xFA20] =	vst.add.f32.msk $0xffff, v3  }
0xb7: {  	[tilespmem:s1+$0x12C20] =	vst.add.f32.msk $0xffff, v3  }
0xb8: {  	[tilespmem:s1+$0xFA30] =	vst.add.f32.msk $0xffff, v4  }
0xb9: {  	[tilespmem:s1+$0x12C30] =	vst.add.f32.msk $0xffff, v4  }
0xba: {  	[tilespmem:s1+$0xFA40] =	vst.add.f32.msk $0xffff, v5  }
.Ltmp5:
0xbb: {  	[tilespmem:s1+$0x12C40] =	vst.add.f32.msk $0xffff, v5;
	(pc) =	sbr.rel @p0 .LBB2_7-.Ltmp5, $4  }
0xbc: {  	[tilespmem:s1+$0xFA50] =	vst.add.f32.msk $0xffff, v6  }
0xbd: {  	[tilespmem:s1+$0x12C50] =	vst.add.f32.msk $0xffff, v6  }
0xbe: {  	[tilespmem:s1+$0xFA60] =	vst.add.f32.msk $0xffff, v7  }
0xbf: {  	s15 =	sadd.s32 $0x200, s15;
	[tilespmem:s1+$0x12C60] =	vst.add.f32.msk $0xffff, v7  }
.Ltmp6:
0xc0: {  	_ = 	snop;
	(pc) =	sbr.rel .LBB2_8-.Ltmp6, $1  }
0xc1: {  	_ =	sdelay $0x3  }
.LBB2_10:
0xc2: {  	_ =	swait.ge [sflag:s29], $0x1A00  }
0xc3: {  	[sflag:s29] =	ssyncset.done $0x0  }
0xc4: {  	[sflag:s29] =	ssyncadd.s32 $0xFFFFE600  }
0xc5: {  	_ =	swait.ge [sflag:s29], $0x1800  }
0xc6: {  	[sflag:s29] =	ssyncset.done $0x0  }
0xc7: {  	[sflag:s29] =	ssyncadd.s32 $0xFFFFE800  }
0xc8: {  	_ =	swait.ge [sflag:s29], $0x1A00  }
0xc9: {  	[sflag:s29] =	ssyncset.done $0x0  }
0xca: {  	[sflag:s29] =	ssyncadd.s32 $0xFFFFE600  }
0xcb: {  	_ =	swait.ge [sflag:s29], $0x1800  }
0xcc: {  	[sflag:s29] =	ssyncset.done $0x0  }
0xcd: {  	s1 =	simm.s32 $0x0;
	[sflag:s29] =	ssyncadd.s32 $0xFFFFE800  }
0xce: {  	v0 =	vld [tilespmem:s1+$0x70]  }
0xcf: {  	v1 =	vld [tilespmem:s1+$0x0]  }
0xd0: {  	v2 =	vld [tilespmem:s1+$0x10]  }
0xd1: {  	v3 =	vld [tilespmem:s1+$0x20]  }
0xd2: {  	v4 =	vld [tilespmem:s1+$0x30]  }
0xd3: {  	v5 =	vld [tilespmem:s1+$0x40]  }
0xd4: {  	v6 =	vld [tilespmem:s1+$0x50]  }
0xd5: {  	v7 =	vld [tilespmem:s1+$0x60]  }
0xd6: {  	[tilespmem:s1+$0x12C70] =	vst.add.f32.msk $0xffff, v0  }
0xd7: {  	[tilespmem:s1+$0xFA00] =	vst.add.f32.msk $0xffff, v1  }
0xd8: {  	[tilespmem:s1+$0x12C00] =	vst.add.f32.msk $0xffff, v1  }
0xd9: {  	[tilespmem:s1+$0xFA10] =	vst.add.f32.msk $0xffff, v2  }
0xda: {  	[tilespmem:s1+$0x12C10] =	vst.add.f32.msk $0xffff, v2  }
0xdb: {  	[tilespmem:s1+$0xFA20] =	vst.add.f32.msk $0xffff, v3  }
0xdc: {  	[tilespmem:s1+$0x12C20] =	vst.add.f32.msk $0xffff, v3  }
0xdd: {  	[tilespmem:s1+$0xFA30] =	vst.add.f32.msk $0xffff, v4  }
0xde: {  	[tilespmem:s1+$0x12C30] =	vst.add.f32.msk $0xffff, v4  }
0xdf: {  	[tilespmem:s1+$0xFA40] =	vst.add.f32.msk $0xffff, v5  }
0xe0: {  	[tilespmem:s1+$0x12C40] =	vst.add.f32.msk $0xffff, v5  }
0xe1: {  	[tilespmem:s1+$0xFA50] =	vst.add.f32.msk $0xffff, v6  }
0xe2: {  	[tilespmem:s1+$0x12C50] =	vst.add.f32.msk $0xffff, v6  }
0xe3: {  	[tilespmem:s1+$0xFA60] =	vst.add.f32.msk $0xffff, v7  }
0xe4: {  	s0 =	simm.s32 $0x0;
	s15 =	simm.s32 $0x200;
	[tilespmem:s1+$0x12C60] =	vst.add.f32.msk $0xffff, v7  }
.LBB2_11:
0xe5: {  	s0 =	sadd.s32 $0x2, s0;
	[tilespmem:s1+$0xFA70] =	vst.add.f32.msk $0xffff, v0;
	s1 =	sshra.s32 s15, $0x2  }
0xe6: {  	v0 =	vld [tilespmem:s1+$0x70];
	p0 =	slt.u32 s0, $0xC6  }
0xe7: {  	v1 =	vld [tilespmem:s1+$0x0]  }
0xe8: {  	v2 =	vld [tilespmem:s1+$0x10]  }
0xe9: {  	v3 =	vld [tilespmem:s1+$0x20]  }
0xea: {  	v4 =	vld [tilespmem:s1+$0x30]  }
0xeb: {  	[tilespmem:s1+$0x12C70] =	vst.add.f32.msk $0xffff, v0  }
0xec: {  	v5 =	vld [tilespmem:s1+$0x40]  }
0xed: {  	v6 =	vld [tilespmem:s1+$0x50]  }
0xee: {  	v7 =	vld [tilespmem:s1+$0x60]  }
0xef: {  	[tilespmem:s1+$0xFA00] =	vst.add.f32.msk $0xffff, v1  }
0xf0: {  	[tilespmem:s1+$0x12C00] =	vst.add.f32.msk $0xffff, v1  }
0xf1: {  	[tilespmem:s1+$0xFA10] =	vst.add.f32.msk $0xffff, v2  }
0xf2: {  	[tilespmem:s1+$0x12C10] =	vst.add.f32.msk $0xffff, v2  }
0xf3: {  	[tilespmem:s1+$0xFA20] =	vst.add.f32.msk $0xffff, v3  }
0xf4: {  	[tilespmem:s1+$0x12C20] =	vst.add.f32.msk $0xffff, v3  }
0xf5: {  	[tilespmem:s1+$0xFA30] =	vst.add.f32.msk $0xffff, v4  }
0xf6: {  	[tilespmem:s1+$0x12C30] =	vst.add.f32.msk $0xffff, v4  }
0xf7: {  	[tilespmem:s1+$0xFA40] =	vst.add.f32.msk $0xffff, v5  }
.Ltmp7:
0xf8: {  	[tilespmem:s1+$0x12C40] =	vst.add.f32.msk $0xffff, v5;
	(pc) =	sbr.rel @p0 .LBB2_11-.Ltmp7, $4  }
0xf9: {  	[tilespmem:s1+$0xFA50] =	vst.add.f32.msk $0xffff, v6  }
0xfa: {  	[tilespmem:s1+$0x12C50] =	vst.add.f32.msk $0xffff, v6  }
0xfb: {  	[tilespmem:s1+$0xFA60] =	vst.add.f32.msk $0xffff, v7  }
0xfc: {  	s15 =	sadd.s32 $0x200, s15;
	[tilespmem:s1+$0x12C60] =	vst.add.f32.msk $0xffff, v7  }
0xfd: {  	s30 =	sadd.s32 $0x1, s30  }
0xfe: {  	p0 =	sne.s32 s30, s9  }
.Ltmp8:
0xff: {  	[tilespmem:s1+$0xFA70] =	vst.add.f32.msk $0xffff, v0;
	(pc) =	sbr.rel @p0 .LBB2_1-.Ltmp8, $4  }
0x100: {  	[hbm4b:s8+s26] =	stream.strided.scatter [tilespmem:s21], [sflag:$0x3], $0x6400, s28, s26, $0x38;
	[tilespmem:$0x15E00] =	vst v63  }
0x101: {  	_ =	swait.ge [sflag:s11], $0x6400  }
0x102: {  	[sflag:s11] =	ssyncset.done $0x0  }
0x103: {  	[sflag:s11] =	ssyncadd.s32 $0xFFFF9C00  }
0x104: {  	_ =	sfence.sel $0x180000  }
0x105: {  	[bflag:$0x0] =	sbarrier.arrive $0xFFFF  }
0x106: {  	_ =	strace $0x90000047  }
0x107: {  	s0 =	stileid.u32;
	[bflag:$0x2] =	sbarrier.arrive $0xFFFF  }
0x108: {  	p0 =	sne.s32 s0, $0x0;
	s0 =	rddreg [dreg:$0x1]  }
0x109: {  	s0 =	sadd.s32 @!p0 $0x100000, s0  }
0x10a: {  	[sflag:s0] =	ssyncadd.tile.s32 @!p0 $0x1;
	_ =	shalt  }
.Lfunc_end2:
_tile_overlayer_lowered:
.L_overlay_start_2:
0x10b: {  	(tag) =	ssettag $0x2  }
0x10c: {  	s0 =	rddreg [dreg:$0x0];
	s2 =	stileid.u32  }
0x10d: {  	s1 =	rddreg [dreg:$0x1];
	p0 =	sne.s32 s2, $0x0  }
0x10e: {  	s3 =	rddreg [dreg:$0x2];
	[bflag:$0x3] =	sbarrier.arrive $0xFFFF;
	s2 =	simm.s32 @!p0 $0x1C03  }
0x10f: {  	[timem:s3], [sflag:s2] =	dma.local @!p0 [hbm:s0], s1  }
0x110: {  	s0 =	simm.s32 @!p0 $0x3  }
0x111: {  	_ =	swait.ge @!p0 [sflag:s0], s1  }
0x112: {  	s1 =	ssub.s32 @!p0 $0x0, s1;
	[sflag:s0] =	ssyncset.done @!p0 $0x0  }
0x113: {  	[sflag:s0] =	ssyncadd.s32 @!p0 s1  }
0x114: {  	[bflag:$0x3] =	sbarrier.arrive $0xFFFF  }
0x115: {  	_ =	shalt  }

// kernel: sparse-core-data-format-call.cloned.1.call-start
scs
called_computation_lowered:
.L_overlay_start_0:
0x0: {  	s2 =	sld [smem:$0x3FD9]  }
0x1: {  	s3 =	sld [smem:$0x3FFE];
	_ =	sdelay $0x1  }
0x2: {  	s1 =	srdreg.scid  }
0x3: {  	s0 =	sand.u32 $0x1, s1  }
0x4: {  	s18 =	sshll.u32 s0, $0xA;
	s2 =	sadd.s32 s3, s2  }
0x5: {  	s2 =	sadd.s32 s2, s18  }
0x6: {  	[smem:$0x3FC5] =	sst s2  }
0x7: {  	_ = 	snop  }
0x8: {  	s2 =	sld [smem:$0x3FD0];
	(tm) =	ssettm $0x1  }
0x9: {  	s19 =	sld [smem:$0x3FFB];
	_ =	sdelay $0x3  }
0xa: {  	_ =	strace s19  }
0xb: {  	s3 =	sld [smem:$0x3FFC];
	_ =	sdelay $0x3  }
0xc: {  	_ =	strace s3  }
0xd: {  	s3 =	sld [smem:$0x3FFD];
	_ =	sdelay $0x3  }
0xe: {  	_ =	strace s3  }
0xf: {  	_ =	strace $0x8FFFFFFF  }
0x10: {  	s20 =	sld [smem:$0x3FDB];
	_ =	sdelay $0x1  }
0x11: {  	s4 =	simm.s32 $_scs_section_size  }
0x12: {  	s5 =	simm.s32 $_size__tile_overlayer_lowered;
	s6 =	simm.s32 $_tile_overlayer_lowered  }
0x13: {  	s23 =	simm.s32 $0x1BFF;
	s22 =	sshll.u32 s6, $0x1;
	s3 =	sadd.s32 s4, s20  }
0x14: {  	s7 =	simm.s32 $0x0;
	s21 =	sshll.u32 s5, $0x1;
	s5 =	sadd.s32 s22, s3  }
0x15: {  	[timem:s7], [sflag:s23] =	dma.local [hbm:s5], s21  }
0x16: {  	_ =	swait.ge [sflag:s23], s21  }
0x17: {  	s4 =	ssub.s32 $0x0, s21;
	[sflag:s23] =	ssyncset.done $0x0  }
0x18: {  	[sflag:s23] =	ssyncadd.s32 s4;
	_ =	sdelay $0x1  }
0x19: {  	s24 =	simm.s32 $0x1B8B  }
0x1a: {  	_ =	swait.ge [sflag:s24], $0x1  }
0x1b: {  	[sflag:s24] =	ssyncset.done $0x0  }
0x1c: {  	s26 =	simm.s32 $0x1B8E;
	s25 =	sld [smem:$0x3FFE];
	[sflag:s24] =	ssyncadd.s32 $0xFFFFFFFF  }
0x1d: {  	s27 =	simm.s32 $execute0_lowered;
	[smem:$0x3FD2] =	sst s26  }
0x1e: {  	s5 =	sshll.u32 s27, $0x1;
	_ =	strace $0x80000049;
	[dreg:$0x1] =	wrdreg $0xFFFFFFFF  }
0x1f: {  	s28 =	simm.s32 $_size_execute0_lowered;
	s3 =	sadd.s32 s3, s5;
	[dreg:$0x0] =	wrdreg $0x0  }
0x20: {  	s5 =	sshll.u32 s28, $0x1;
	[dreg:$0x2] =	wrdreg s3  }
0x21: {  	[dreg:$0x3] =	wrdreg s5  }
0x22: {  	[dreg:$0x4] =	wrdreg $0xC0  }
0x23: {  	_ =	task [dreg:s7], $0x5FFFF  }
0x24: {  	[dreg:$0x1] =	wrdreg $0xFFFFFFFF  }
0x25: {  	[dreg:$0x0] =	wrdreg $0x60  }
0x26: {  	[dreg:$0x2] =	wrdreg s25  }
0x27: {  	[dreg:$0x3] =	wrdreg s2  }
0x28: {  	[dreg:$0x4] =	wrdreg $0x9  }
0x29: {  	_ =	task.clear_ibuf [dreg:s7], $0x5FFFF;
	_ =	strace $0x90000049  }
0x2a: {  	s29 =	simm.s32 $0x9;
	_ =	strace $0x8000004B  }
0x2b: {  	_ =	swait.ge [sflag:s29], $0x1  }
0x2c: {  	[sflag:s29] =	ssyncadd.s32 $0xFFFFFFFF  }
0x2d: {  	_ =	strace $0x9000004B  }
0x2e: {  	_ =	sfence  }
0x2f: {  	s30 =	sld [smem:$0x0];
	_ =	sdelay $0x2  }
0x30: {  	s31 =	sshll.u32 s1, $0xD;
	s1 =	sshrl.u32 s1, $0x2  }
0x31: {  	s3 =	sand.u32 $0x4000, s31;
	s1 =	sadd.s32 s1, s30  }
0x32: {  	s0 =	sor.u32 s3, s0;
	s1 =	sshll.u32 s1, $0x11  }
0x33: {  	s0 =	sor.u32 s1, s0  }
0x34: {  	s0 =	sadd.s32 $0x8F2B, s0  }
0x35: {  	[sflag:s0] =	ssyncadd.remote.s32 $0x1  }
0x36: {  	_ =	sfence.sel $0xFFFF  }
0x37: {  	[dreg:$0x0] =	wrdreg $0xFFFFFFFF;
	(pc) =	sbr.abs _section_cstart, $3  }
0x38: {  	[dreg:$0x1] =	wrdreg $0xFFFFFFFF  }
0x39: {  	_ =	task.clear_ibuf [dreg:s7], $0x2FFFF;
	_ =	strace $0x9FFFFFFF  }
0x3a: {  	(tm) =	ssettm $0x7FFFFFFF  }
0x3b: {  	_ =	shalt  }
tec
execute0_lowered:
.L_overlay_start_1:
0x0: {  	(tag) =	ssettag $0x1  }
0x1: {  	s0 =	srdreg.scid  }
0x2: {  	s1 =	sshll.u32 s0, $0x4  }
0x3: {  	s0 =	stileid.u32;
	s1 =	sand.u32 $0x10, s1  }
0x4: {  	s1 =	sor.u32 s0, s1  }
0x5: {  	s6 =	rddreg [dreg:$0x0];
	s4 =	simm.s32 $0x1;
	s2 =	sshll.u32 s1, $0x7  }
0x6: {  	s7 =	simm.s32 $0x2;
	s12 =	simm.s32 $0x0;
	s1 =	ssub.s32 $0x1000, s2  }
0x7: {  	s8 =	simm.s32 $0x8000;
	s13 =	simm.s32 $0x0;
	s3 =	sand.u32 $0xF80, s1  }
0x8: {  	s9 =	simm.s32 $0x0;
	s5 =	sshrl.u32 s1, $0xC;
	p0 =	sne.s32 s3, $0x0  }
.Ltmp0:
0x9: {  	s1 =	rddreg [dreg:$0x2];
	s4 =	simm.s32 @!p0 $0x0;
	(pc) =	sbr.rel .LBB1_1-.Ltmp0, $4  }
0xa: {  	s11 =	simm.s32 $0x0;
	s3 =	rddreg [dreg:$0x1];
	s5 =	sadd.s32 s4, s5  }
0xb: {  	_ =	strace $0x8000004A;
	s4 =	simm.s32 $0x1;
	s5 =	smul.u32 $0xC8, s5  }
0xc: {  	s6 =	sadd.s32 $0xDD600, s6;
	s10 =	smov.u32 s2;
	[sflag:s4] =	ssyncpa.u1 $0x0  }
0xd: {  	p0 =	por $0x0, $0x0;
	[sflag:s7] =	ssyncpa.u1 $0x0;
	s7 =	sor.u32 $0x1, s5  }
.LBB1_4:
0xe: {  	s16 =	sshll.u32 s13, $0x3;
	s17 =	sand.u32 $0x78, s13  }
0xf: {  	s30 =	sand.u32 $0x7E00, s13;
	s12 =	sshll.u32 s12, $0xF;
	s16 =	sand.u32 $0xC00, s16  }
0x10: {  	[tilespmem:s15+$0x810 ss:$0x81] =	vst.msk $0xffff, v2;
	s31 =	sand.u32 $0x7, s13;
	s16 =	sor.u32 s17, s16;
	s17 =	sadd.s32 s3, s30  }
0x11: {  	[tilespmem:s15+$0x1020 ss:$0x81] =	vst.msk $0xffff, v0;
	s13 =	sshll.u32 s31, $0x12;
	s12 =	sadd.s32 s12, s17;
	s16 =	sshrl.u32 s16, $0x3  }
0x12: {  	[tilespmem:s15+$0x0 ss:$0x81] =	vst.msk $0xffff, v1;
	s13 =	sor.u32 $0x400, s13;
	s12 =	sadd.s32 s16, s12  }
0x13: {  	[hbm4b:s12+s13] =	stream.strided.scatter [tilespmem:s14], [sflag:$0x2], $0x2000, s8, s13, $0x20;
	[tilespmem:$0x8080] =	vst v63  }
.LBB1_5:
0x14: {  	s14 =	sadd.s32 $0x1, s9  }
0x15: {  	s12 =	sadd.s32 $0x1000, s10;
	s16 =	smov.u32 s10;
	p2 =	sgt.s32 s14, $0xC7  }
0x16: {  	s16 =	smov.u32 @p2 s12  }
0x17: {  	s14 =	simm.s32 @p2 $0x0;
	p2 =	sgt.s32 s16, $0xFFF  }
0x18: {  	s16 =	smov.u32 @p2 s2;
	p2 =	sne.s32 s11, s7  }
.Ltmp1:
0x19: {  	p1 =	slt.u32 s11, $0x2;
	(pc) =	sbr.rel @!p2 .LBB1_6-.Ltmp1, $4  }
0x1a: {  	s15 =	simm.s32 @!p1 $0x2  }
0x1b: {  	s13 =	smov.u32 s10;
	p0 =	por !p0, !p0;
	_ =	swait.ge @!p1 [sflag:s15], $0x2000  }
0x1c: {  	s12 =	smov.u32 s9;
	[sflag:s15] =	ssyncset.done @!p1 $0x0;
	s9 =	smov.u32 s14  }
0x1d: {  	s11 =	sadd.s32 $0x1, s11;
	[sflag:s15] =	ssyncadd.s32 @!p1 $0xFFFFE000;
	s10 =	smov.u32 s16  }
.LBB1_1:
0x1e: {  	p1 =	sge.u32 s11, s5  }
0x1f: {  	s14 =	sand.u32 @!p1 $0x1FFFFFF, s9  }
0x20: {  	s15 =	smulhi.u32 @!p1 $0x147AE15, s14;
	_ =	sdelay $0x1  }
0x21: {  	s15 =	smul.u32 @!p1 $0xC8, s15  }
0x22: {  	s16 =	sxor.u32 @!p1 $0xFFFFFFFF, s11;
	s17 =	smul.u32 @!p1 $0xC80, s10  }
0x23: {  	s31 =	sadd.s32 $0xFFFFFFFF, s11;
	s16 =	sshll.u32 @!p1 s16, $0xD;
	s14 =	ssub.s32 @!p1 s14, s15  }
0x24: {  	s15 =	sand.u32 @!p1 $0x2000, s16;
	s16 =	sadd.s32 @!p1 s6, s17;
	s14 =	sshll.u32 @!p1 s14, $0x4  }
0x25: {  	s17 =	simm.s32 @!p1 $0x6400;
	s14 =	sadd.s32 @!p1 s14, s16;
	s16 =	simm.s32 @!p1 $0x40  }
0x26: {  	[tilespmem:s15], [sflag:$0x1] =	stream.strided.gather @!p1 [hbm4b:s14+s16], $0x2000, s17, s16, $0x38;
	[tilespmem:$0x8080] =	vst v63  }
0x27: {  	p1 =	sge.u32 s31, s5  }
.Ltmp2:
0x28: {  	_ = 	snop;
	(pc) =	sbr.rel @p1 .LBB1_5-.Ltmp2, $1  }
0x29: {  	_ =	sdelay $0x3  }
0x2a: {  	s14 =	simm.s32 $0x1  }
0x2b: {  	_ =	swait.ge [sflag:s4], $0x2000;
	s14 =	simm.s32 @!p0 $0x0  }
0x2c: {  	[sflag:s4] =	ssyncset.done $0x0;
	s15 =	sshll.u32 s14, $0xD  }
0x2d: {  	[sflag:s4] =	ssyncadd.s32 $0xFFFFE000;
	s18 =	sor.u32 $0x20, s15  }
0x2e: {  	s14 =	smul.u32 $0x8100, s14;
	v3 =	vld [tilespmem:s18+$0x10]  }
0x2f: {  	s30 =	sand.u32 $0x1, s11;
	v2 =	vld [tilespmem:s18+$0xFFFFFFF0]  }
0x30: {  	s15 =	smul.u32 $0x8100, s30;
	s14 =	sshrl.u32 s14, $0x2;
	v0 =	vld [tilespmem:s18+$0x0]  }
0x31: {  	v1 =	vld [tilespmem:s18+$0xFFFFFFE0];
	s16 =	sor.u32 $0x4000, s14  }
0x32: {  	s31 =	sshrl.u32 s15, $0x2;
	s15 =	sadd.s32 $0x0, s16  }
0x33: {  	s17 =	simm.s32 $0x4;
	s18 =	sadd.s32 $0x40, s18;
	s14 =	sor.u32 $0x4000, s31;
	[tilespmem:s15+$0x1830 ss:$0x81] =	vst.msk $0xffff, v3  }
.LBB1_3:
0x34: {  	v3 =	vld [tilespmem:s18+$0x10];
	p1 =	sne.s32 s17, $0x1FC;
	[tilespmem:s15+$0x810 ss:$0x81] =	vst.msk $0xffff, v2;
	s19 =	smov.u32 s17;
	s17 =	sadd.s32 $0x4, s17  }
.Ltmp3:
0x35: {  	v2 =	vld [tilespmem:s18+$0xFFFFFFF0];
	[tilespmem:s15+$0x1020 ss:$0x81] =	vst.msk $0xffff, v0;
	(pc) =	sbr.rel @p1 .LBB1_3-.Ltmp3, $4  }
0x36: {  	v0 =	vld [tilespmem:s18+$0x0];
	[tilespmem:s15+$0x0 ss:$0x81] =	vst.msk $0xffff, v1  }
0x37: {  	s15 =	sshra.s32 s19, $0x2;
	v1 =	vld [tilespmem:s18+$0xFFFFFFE0]  }
0x38: {  	s15 =	sadd.s32 s15, s16  }
0x39: {  	s18 =	sadd.s32 $0x40, s18;
	[tilespmem:s15+$0x1830 ss:$0x81] =	vst.msk $0xffff, v3  }
.Ltmp4:
0x3a: {  	_ = 	snop;
	(pc) =	sbr.rel .LBB1_4-.Ltmp4, $1  }
0x3b: {  	_ =	sdelay $0x3  }
.LBB1_6:
0x3c: {  	_ =	sfence.sel $0x180000  }
0x3d: {  	s2 =	simm.s32 $0x1;
	[bflag:$0x0] =	sbarrier.arrive $0xFFFF  }
0x3e: {  	s31 =	simm.s32 $0x2;
	[sflag:s2] =	ssyncpa.u1 $0x1  }
0x3f: {  	[sflag:s31] =	ssyncpa.u1 $0x1  }
0x40: {  	p0 =	sne.s32 s0, $0x0;
	_ =	strace $0x9000004A  }
0x41: {  	s0 =	sadd.s32 @!p0 $0x100000, s1;
	[bflag:$0x2] =	sbarrier.arrive $0xFFFF  }
0x42: {  	[sflag:s0] =	ssyncadd.tile.s32 @!p0 $0x1;
	_ =	shalt  }
.Lfunc_end1:
_tile_overlayer_lowered:
.L_overlay_start_2:
0x43: {  	(tag) =	ssettag $0x2  }
0x44: {  	s0 =	rddreg [dreg:$0x0];
	s2 =	stileid.u32  }
0x45: {  	s1 =	rddreg [dreg:$0x1];
	p0 =	sne.s32 s2, $0x0  }
0x46: {  	s3 =	rddreg [dreg:$0x2];
	[bflag:$0x3] =	sbarrier.arrive $0xFFFF;
	s2 =	simm.s32 @!p0 $0x1C01  }
0x47: {  	[timem:s3], [sflag:s2] =	dma.local @!p0 [hbm:s0], s1  }
0x48: {  	s0 =	simm.s32 @!p0 $0x1  }
0x49: {  	_ =	swait.ge @!p0 [sflag:s0], s1  }
0x4a: {  	s1 =	ssub.s32 @!p0 $0x0, s1;
	[sflag:s0] =	ssyncset.done @!p0 $0x0  }
0x4b: {  	[sflag:s0] =	ssyncadd.s32 @!p0 s1  }
0x4c: {  	[bflag:$0x3] =	sbarrier.arrive $0xFFFF  }
0x4d: {  	_ =	shalt  }

</sc_bundles>
